<compile_context>
chip_gen: v7x
topology: tpu7x:2x2x1
jax: 0.10.2.dev20260603
libtpu: 0.0.44.dev20260713+nightly
codegen_flags: <defaults>
</compile_context>

<pallas_src>
import jax
import jax.numpy as jnp
from jax.experimental import pallas as pl
from jax.experimental.pallas import tpu as pltpu
from jax.experimental.pallas import tpu_sc as plsc

N = 8192
D = 1024
NH = 1
H = N // NH
TR = 1024
TE = 512
NBH = H + TE
NTH = NBH // TE
RC = 128
RWH = H // RC
OW = 128
SC_W = 128
SC_C = 4
DC = D // SC_C
SC_GW = 128

_PAR = pltpu.CompilerParams(dimension_semantics=("parallel",))


def _ln_relu(h, g, beta):
    mu = jnp.mean(h, axis=-1, keepdims=True)
    var = jnp.mean((h - mu) * (h - mu), axis=-1, keepdims=True)
    h = (h - mu) / jnp.sqrt(var + 1e-5) * g + beta
    return jnp.maximum(h, 0.0)


def _router_body(x_ref, w1_ref, b1_ref, g_ref, beta_ref, w2_ref, b2_ref,
                 route_ref):
    x = x_ref[...]
    h = jnp.dot(x, w1_ref[...], preferred_element_type=jnp.float32)
    h = _ln_relu(h + b1_ref[...], g_ref[...], beta_ref[...])
    l = jnp.dot(h, w2_ref[...], preferred_element_type=jnp.float32)
    l = l + b2_ref[...]
    route = (l[:, 1:2] > l[:, 0:1]).astype(jnp.int32)
    route_ref[...] = route.reshape(TR // RC, RC)


def _pos_body(r_ref, pos_ref, pos4_ref, te_ref):
    rows = r_ref.shape[0]
    r = r_ref[...]
    isf = (r == 0).astype(jnp.float32)
    ri = jax.lax.broadcasted_iota(jnp.int32, (RC, RC), 0)
    ci = jax.lax.broadcasted_iota(jnp.int32, (RC, RC), 1)
    tri = (ri <= ci).astype(jnp.float32)
    p = jnp.dot(isf, tri, preferred_element_type=jnp.float32)
    s = p[:, RC - 1:RC]
    r2 = jax.lax.broadcasted_iota(jnp.int32, (rows, rows), 0)
    c2 = jax.lax.broadcasted_iota(jnp.int32, (rows, rows), 1)
    lower = (c2 < r2).astype(jnp.float32)
    row_excl = jnp.dot(lower, s, preferred_element_type=jnp.float32)
    fake_incl = (p + row_excl).astype(jnp.int32)
    n_fake = fake_incl[rows - 1:rows, RC - 1:RC]
    f_base = jnp.bitwise_and(n_fake + (TE - 1), -TE)
    gidx = (jax.lax.broadcasted_iota(jnp.int32, (rows, RC), 0) * RC
            + jax.lax.broadcasted_iota(jnp.int32, (rows, RC), 1))
    real_incl = gidx + 1 - fake_incl
    pos = jnp.where(r == 0, fake_incl - 1, f_base + real_incl - 1)
    pos_ref[...] = pos
    chunk = jax.lax.broadcasted_iota(jnp.int32, (SC_C, rows, RC), 0)
    pos4_ref[...] = NBH * chunk + pos[None]
    t = (jax.lax.broadcasted_iota(jnp.int32, (8, 64), 0) * 64
         + jax.lax.broadcasted_iota(jnp.int32, (8, 64), 1))
    te_ref[...] = ((t * TE) >= f_base).astype(jnp.int32)


def _expert_body(te_ref, x0_ref, x1_ref, x2_ref, x3_ref,
                 fw1_ref, fb1_ref, fg_ref, fbeta_ref, fw2_ref, fb2_ref,
                 rw1_ref, rb1_ref, rg_ref, rbeta_ref, rw2_ref, rb2_ref,
                 o_ref):
    e = te_ref[pl.program_id(0)]
    x_refs = (x0_ref, x1_ref, x2_ref, x3_ref)

    def head(w1_ref, b1_ref, g_ref, beta_ref, w2_ref, b2_ref):
        h = jnp.dot(x_refs[0][...], w1_ref[0:DC, :],
                    preferred_element_type=jnp.float32)
        for c in range(1, SC_C):
            h = h + jnp.dot(x_refs[c][...], w1_ref[c * DC:(c + 1) * DC, :],
                            preferred_element_type=jnp.float32)
        h = _ln_relu(h + b1_ref[...], g_ref[...], beta_ref[...])
        l = jnp.dot(h, w2_ref[...], preferred_element_type=jnp.float32)
        l = l + b2_ref[...]
        o_ref[...] = jnp.concatenate(
            [l, jnp.zeros((TE, OW - 2), jnp.float32)], axis=1)

    @pl.when(e == 0)
    def _():
        head(fw1_ref, fb1_ref, fg_ref, fbeta_ref, fw2_ref, fb2_ref)

    @pl.when(e != 0)
    def _():
        head(rw1_ref, rb1_ref, rg_ref, rbeta_ref, rw2_ref, rb2_ref)


def _sc_mesh():
    return plsc.VectorSubcoreMesh(core_axis_name="core",
                                  subcore_axis_name="subcore")


def _sc_scatter_rows(x, pos4, half):
    base = half * (H // SC_W)

    @pl.kernel(out_type=jax.ShapeDtypeStruct((SC_C * NBH, DC), jnp.float32),
               mesh=_sc_mesh())
    def k(x_hbm, i_hbm, o_hbm):
        def body(x_vmem, i_vmem):
            pltpu.sync_copy(x_vmem, o_hbm.at[i_vmem.at[0, 0]])

        pltpu.emit_pipeline(
            body,
            grid=(H // SC_W, SC_C),
            in_specs=[pl.BlockSpec((SC_W, DC), lambda i, c: (base + i, c)),
                      pl.BlockSpec((1, 1, SC_W), lambda i, c: (c, i, 0))],
            out_specs=[],
            core_axis_name=("core", "subcore"),
            dimension_semantics=(pltpu.PARALLEL, pltpu.PARALLEL),
        )(x_hbm, i_hbm)

    return k(x, pos4)


def _sc_gather_rows(data, pos):
    @pl.kernel(out_type=jax.ShapeDtypeStruct((H, OW), jnp.float32),
               mesh=_sc_mesh())
    def k(d_hbm, i_hbm, o_hbm):
        def body(i_vmem, o_vmem):
            pltpu.sync_copy(d_hbm.at[i_vmem.at[0]], o_vmem)

        pltpu.emit_pipeline(
            body,
            grid=(H // SC_GW,),
            in_specs=[pl.BlockSpec((1, SC_GW), lambda i: (i, 0))],
            out_specs=[pl.BlockSpec((SC_GW, OW), lambda i: (i, 0))],
            core_axis_name=("core", "subcore"),
            dimension_semantics=(pltpu.PARALLEL,),
        )(i_hbm, o_hbm)

    return k(data, pos)


def kernel(x,
           first_W1, first_b1, first_g, first_beta, first_W2, first_b2,
           fake_W1, fake_b1, fake_g, fake_beta, fake_W2, fake_b2,
           real_W1, real_b1, real_g, real_beta, real_W2, real_b2):
    f32 = jnp.float32
    full = lambda shape: pl.BlockSpec(shape, lambda i: (0,) * len(shape))

    def router(half):
        base = half * (H // TR)
        return pl.pallas_call(
            _router_body,
            grid=(H // TR,),
            in_specs=[pl.BlockSpec((TR, D), lambda i: (base + i, 0)),
                      full((D, D)), full((1, D)), full((1, D)), full((1, D)),
                      full((D, 2)), full((1, 2))],
            out_specs=pl.BlockSpec((TR // RC, RC), lambda i: (i, 0)),
            out_shape=jax.ShapeDtypeStruct((RWH, RC), jnp.int32),
            compiler_params=_PAR,
        )(x, first_W1, first_b1[None], first_g[None], first_beta[None],
          first_W2, first_b2[None])

    def positions(routes):
        return pl.pallas_call(
            _pos_body,
            out_shape=[jax.ShapeDtypeStruct((RWH, RC), jnp.int32),
                       jax.ShapeDtypeStruct((SC_C, RWH, RC), jnp.int32),
                       jax.ShapeDtypeStruct((8, 64), jnp.int32)],
        )(routes)

    def expert(xs, tile_expert):
        grid_spec = pltpu.PrefetchScalarGridSpec(
            num_scalar_prefetch=1,
            grid=(NTH,),
            in_specs=[
                pl.BlockSpec((TE, DC), lambda i, te: (0 * NTH + i, 0)),
                pl.BlockSpec((TE, DC), lambda i, te: (1 * NTH + i, 0)),
                pl.BlockSpec((TE, DC), lambda i, te: (2 * NTH + i, 0)),
                pl.BlockSpec((TE, DC), lambda i, te: (3 * NTH + i, 0)),
                pl.BlockSpec((D, D), lambda i, te: (0, 0)),
                pl.BlockSpec((1, D), lambda i, te: (0, 0)),
                pl.BlockSpec((1, D), lambda i, te: (0, 0)),
                pl.BlockSpec((1, D), lambda i, te: (0, 0)),
                pl.BlockSpec((D, 2), lambda i, te: (0, 0)),
                pl.BlockSpec((1, 2), lambda i, te: (0, 0)),
                pl.BlockSpec((D, D), lambda i, te: (0, 0)),
                pl.BlockSpec((1, D), lambda i, te: (0, 0)),
                pl.BlockSpec((1, D), lambda i, te: (0, 0)),
                pl.BlockSpec((1, D), lambda i, te: (0, 0)),
                pl.BlockSpec((D, 2), lambda i, te: (0, 0)),
                pl.BlockSpec((1, 2), lambda i, te: (0, 0)),
            ],
            out_specs=pl.BlockSpec((TE, OW), lambda i, te: (i, 0)),
        )
        return pl.pallas_call(
            _expert_body,
            grid_spec=grid_spec,
            out_shape=jax.ShapeDtypeStruct((NBH, OW), f32),
            compiler_params=pltpu.CompilerParams(
                dimension_semantics=("arbitrary",)),
        )(tile_expert, xs, xs, xs, xs,
          fake_W1, fake_b1[None], fake_g[None], fake_beta[None],
          fake_W2, fake_b2[None],
          real_W1, real_b1[None], real_g[None], real_beta[None],
          real_W2, real_b2[None])

    routes_h, pos_h, xs_h = [], [], []
    for h in range(NH):
        routes = router(h)
        pos2, pos4, te2 = positions(routes)
        routes_h.append(routes)
        pos_h.append((pos2, te2))
        xs_h.append(_sc_scatter_rows(x, pos4, h))

    fin_h = []
    for h in range(NH):
        pos2, te2 = pos_h[h]
        out_sorted = expert(xs_h[h], te2.reshape(8 * 64)[:NTH])
        fin_h.append(_sc_gather_rows(out_sorted, pos2)[:, :2])

    route_out = jnp.concatenate([r.reshape(H) for r in routes_h])
    return route_out, jnp.concatenate(fin_h, axis=0)

# --- scband reference (transcript-rebuilt; emitter-appended) ---
"""Pipeline reference for scband-segmentation-head-61881888801118 (READ-ONLY COPY).

The authoritative reference and input builder live on the scoring server;
editing this copy changes nothing except your own understanding.
"""

import jax, jax.numpy as jnp
import numpy as np

N = 8192
D = 1024


def _head(x, W1, b1, g, beta, W2, b2):
    # Linear -> LayerNorm -> Dropout(eval: identity) -> ReLU -> Linear -> Dropout(eval: identity)
    h = x @ W1 + b1
    mu = jnp.mean(h, axis=-1, keepdims=True)
    var = jnp.var(h, axis=-1, keepdims=True)
    h = (h - mu) / jnp.sqrt(var + 1e-5) * g + beta
    h = jax.nn.relu(h)
    return h @ W2 + b2


def setup_inputs(seed: int = 0) -> dict:
    key = jax.random.key(seed)
    ks = jax.random.split(key, 8)
    d = {"x": jax.random.normal(ks[0], (N, D), dtype=jnp.float32)}
    i = 1
    for n in ("first", "fake", "real"):
        d[n + "_W1"] = jax.random.normal(ks[i], (D, D), dtype=jnp.float32) * 0.02
        d[n + "_b1"] = jnp.zeros((D,), dtype=jnp.float32)
        d[n + "_g"] = jnp.ones((D,), dtype=jnp.float32)
        d[n + "_beta"] = jnp.zeros((D,), dtype=jnp.float32)
        d[n + "_W2"] = jax.random.normal(ks[i + 1], (D, 2), dtype=jnp.float32) * 0.02
        d[n + "_b2"] = jnp.zeros((2,), dtype=jnp.float32)
        i += 2
    return d


def reference(x,
              first_W1, first_b1, first_g, first_beta, first_W2, first_b2,
              fake_W1, fake_b1, fake_g, fake_beta, fake_W2, fake_b2,
              real_W1, real_b1, real_g, real_beta, real_W2, real_b2):
    # Router head: decide fake (0) vs real (1) per sample
    fake_or_real_logits = _head(x, first_W1, first_b1, first_g, first_beta, first_W2, first_b2)
    fake_or_real = jnp.argmax(fake_or_real_logits, axis=1)
    # Both expert heads run on all tokens (dense MoE dispatch); per-row select by route
    fake_logits = _head(x, fake_W1, fake_b1, fake_g, fake_beta, fake_W2, fake_b2)
    real_logits = _head(x, real_W1, real_b1, real_g, real_beta, real_W2, real_b2)
    is_fake = (fake_or_real == 0)
    final_logits = jnp.where(is_fake[:, None], fake_logits, real_logits)
    # torch code also returns a python list of 'fake'/'real' strings; we return the
    # equivalent integer route array (0=fake, 1=real) alongside the stacked logits.
    return (fake_or_real, final_logits)

if __name__ == "__main__":
    import jax
    _d = setup_inputs()
    print(jax.jit(kernel)(*tuple(_d.values())))

</pallas_src>

<mosaic_0001>
#map = affine_map<(d0, d1) -> (0, 0)>
module attributes {stable_mosaic.version = 14 : i64} {
  func.func @k(%arg0: i32, %arg1: i32, %arg2: memref<8704x128xf32, #tpu.memory_space<hbm>>, %arg3: memref<64x128xi32, #tpu.memory_space<hbm>>, %arg4: memref<8192x128xf32, #tpu.memory_space<hbm>>) attributes {dimension_semantics = [#tpu.dimension_semantics<core_parallel>, #tpu.dimension_semantics<subcore_parallel>], iteration_bounds = array<i64: 2, 16>, scalar_prefetch = 0 : i64, scratch_operands = 0 : i64, tpu.core_type = #tpu.core_type<sc_vector_subcore>, window_params = [{transform_indices = #map}, {transform_indices = #map}, {transform_indices = #map}]} {
    %mul3A = arith.constant 1 : i32
    %mul3A_0 = arith.muli %arg1, %mul3A : i32
    %add3A = arith.constant 0 : i32
    %add3A_1 = arith.addi %add3A, %mul3A_0 : i32
    %mul3A_2 = arith.constant 16 : i32
    %mul3A_3 = arith.muli %arg0, %mul3A_2 : i32
    %add3A_4 = arith.addi %add3A_1, %mul3A_3 : i32
    %mul3A_5 = arith.constant 2 : i32
    %mul3A_6 = arith.muli %add3A_4, %mul3A_5 : i32
    "tpu.region"() ({
      %run_scoped3A = memref.alloca() : memref<2x1x128xi32, #tpu.memory_space<vmem>>
      %run_scoped3A_7 = tpu.sem_alloc : memref<2x!tpu.dma_semaphore, #tpu.memory_space<semaphore_mem>>
      %run_scoped3A_8 = memref.alloca() : memref<2x128x128xf32, #tpu.memory_space<vmem>>
      %run_scoped3A_9 = tpu.sem_alloc : memref<2x!tpu.dma_semaphore, #tpu.memory_space<semaphore_mem>>
      %add3A_10 = arith.constant 0 : i32
      %add3A_11 = arith.addi %add3A_10, %mul3A_6 : i32
      %select_n3A = arith.constant true
      %select_n3A_12 = arith.constant 0 : i32
      %select_n3A_13 = arith.constant -1 : i32
      %select_n3A_14 = arith.select %select_n3A, %select_n3A_13, %select_n3A_12 : i32
      %eq3A = arith.constant -1 : i32
      %eq3A_15 = arith.cmpi eq, %select_n3A_14, %eq3A : i32
      %select_n3A_16 = arith.constant 1 : i32
      %select_n3A_17 = arith.select %eq3A_15, %select_n3A_16, %select_n3A_14 : i32
      %add3A_18 = arith.addi %select_n3A_17, %mul3A_6 : i32
      %select_n3A_19 = arith.constant true
      %select_n3A_20 = arith.constant 0 : i32
      %select_n3A_21 = arith.constant 1 : i32
      %select_n3A_22 = arith.select %select_n3A_19, %select_n3A_21, %select_n3A_20 : i32
      %eq3A_23 = arith.constant 2 : i32
      %eq3A_24 = arith.cmpi eq, %select_n3A_22, %eq3A_23 : i32
      %select_n3A_25 = arith.constant 0 : i32
      %select_n3A_26 = arith.select %eq3A_24, %select_n3A_25, %select_n3A_22 : i32
      %add3A_27 = arith.addi %select_n3A_26, %mul3A_6 : i32
      %add3A_28 = arith.constant 1 : i32
      %add3A_29 = arith.addi %select_n3A_26, %add3A_28 : i32
      %select_n3A_30 = arith.constant true
      %select_n3A_31 = arith.select %select_n3A_30, %add3A_29, %select_n3A_26 : i32
      %eq3A_32 = arith.constant 2 : i32
      %eq3A_33 = arith.cmpi eq, %select_n3A_31, %eq3A_32 : i32
      %select_n3A_34 = arith.constant 0 : i32
      %select_n3A_35 = arith.select %eq3A_33, %select_n3A_34, %select_n3A_31 : i32
      %add3A_36 = arith.addi %select_n3A_35, %mul3A_6 : i32
      "tpu.trace_start"() <{level = 10 : i32, message = "ep_initialize_0"}> : () -> ()
      %rem3A = arith.constant 0 : i32
      %rem3A_37 = arith.constant 2 : i32
      %rem3A_38 = arith.remui %rem3A, %rem3A_37 : i32
      %mul3A_39 = arith.constant 1 : i32
      %mul3A_40 = arith.muli %mul3A_39, %add3A_11 : i32
      %dma_start3A = arith.constant 0 : i32
      %dma_start3A_41 = arith.constant 0 : i32
      %dma_start3A_42 = tpu.memref_slice %run_scoped3A[%rem3A_38, %dma_start3A, %dma_start3A_41] : memref<2x1x128xi32, #tpu.memory_space<vmem>> -> memref<1x1x128xi32, #tpu.memory_space<vmem>>
      %dma_start3A_43 = tpu.memref_squeeze %dma_start3A_42 : memref<1x1x128xi32, #tpu.memory_space<vmem>> -> memref<1x128xi32, #tpu.memory_space<vmem>>
      %dma_start3A_44 = arith.constant 0 : i32
      %dma_start3A_45 = tpu.memref_slice %arg3[%mul3A_40, %dma_start3A_44] : memref<64x128xi32, #tpu.memory_space<hbm>> -> memref<1x128xi32, #tpu.memory_space<hbm>>
      %dma_start3A_46 = tpu.memref_slice %run_scoped3A_7[%rem3A_38] : memref<2x!tpu.dma_semaphore, #tpu.memory_space<semaphore_mem>> -> memref<1x!tpu.dma_semaphore, #tpu.memory_space<semaphore_mem>>
      %dma_start3A_47 = tpu.memref_squeeze %dma_start3A_46 : memref<1x!tpu.dma_semaphore, #tpu.memory_space<semaphore_mem>> -> memref<!tpu.dma_semaphore, #tpu.memory_space<semaphore_mem>>
      %dma_start3A_48 = arith.constant 0 : i32
      %dma_start3A_49 = arith.constant 0 : i32
      %dma_start3A_50 = tpu.memref_slice %run_scoped3A[%rem3A_38, %dma_start3A_48, %dma_start3A_49] : memref<2x1x128xi32, #tpu.memory_space<vmem>> -> memref<1x1x128xi32, #tpu.memory_space<vmem>>
      %dma_start3A_51 = tpu.memref_squeeze %dma_start3A_50 : memref<1x1x128xi32, #tpu.memory_space<vmem>> -> memref<1x128xi32, #tpu.memory_space<vmem>>
      %dma_start3A_52 = arith.constant 0 : i32
      %dma_start3A_53 = tpu.memref_slice %arg3[%mul3A_40, %dma_start3A_52] : memref<64x128xi32, #tpu.memory_space<hbm>> -> memref<1x128xi32, #tpu.memory_space<hbm>>
      tpu.enqueue_dma source(%dma_start3A_53 : memref<1x128xi32, #tpu.memory_space<hbm>>) target(%dma_start3A_51 : memref<1x128xi32, #tpu.memory_space<vmem>>) target_semaphore(%dma_start3A_47 : memref<!tpu.dma_semaphore, #tpu.memory_space<semaphore_mem>>)
      %add3A_54 = arith.constant 0 : i32
      %add3A_55 = arith.constant 1 : i32
      %add3A_56 = arith.addi %add3A_54, %add3A_55 : i32
      %select_n3A_57 = arith.constant true
      %select_n3A_58 = arith.constant 0 : i32
      %select_n3A_59 = arith.select %select_n3A_57, %add3A_56, %select_n3A_58 : i32
      "tpu.trace_stop"() : () -> ()
      %scan3A = arith.constant 0 : i32
      %scan3A_60 = arith.constant 0 : i32
      %scan3A_61 = arith.constant 0 : i32
      %scan3A_62 = arith.constant 0 : i32
      %scan3A_63 = arith.constant 0 : i32
      %scan3A_64 = arith.constant 2 : i32
      %scan3A_65 = arith.addi %scan3A_63, %scan3A_64 : i32
      %scan3A_66 = arith.constant 1 : i32
      %scan3A_67:5 = scf.for %scan3A_121 = %scan3A_63 to %scan3A_65 step %scan3A_66 iter_args(%scan3A_122 = %select_n3A_59, %scan3A_123 = %scan3A, %scan3A_124 = %scan3A_60, %scan3A_125 = %scan3A_61, %scan3A_126 = %scan3A_62) -> (i32, i32, i32, i32, i32)  : i32 {
        %eq3A_127 = arith.constant 0 : i32
        %eq3A_128 = arith.cmpi eq, %scan3A_121, %eq3A_127 : i32
        %eq3A_129 = arith.constant 1 : i32
        %eq3A_130 = arith.cmpi eq, %scan3A_121, %eq3A_129 : i32
        %add3A_131 = arith.addi %scan3A_126, %mul3A_6 : i32
        %sub3A_132 = arith.constant 1 : i32
        %sub3A_133 = arith.subi %scan3A_126, %sub3A_132 : i32
        %select_n3A_134 = arith.constant true
        %select_n3A_135 = arith.select %select_n3A_134, %sub3A_133, %scan3A_126 : i32
        %eq3A_136 = arith.constant -1 : i32
        %eq3A_137 = arith.cmpi eq, %select_n3A_135, %eq3A_136 : i32
        %select_n3A_138 = arith.constant 1 : i32
        %select_n3A_139 = arith.select %eq3A_137, %select_n3A_138, %select_n3A_135 : i32
        %add3A_140 = arith.addi %select_n3A_139, %mul3A_6 : i32
        %add3A_141 = arith.constant 1 : i32
        %add3A_142 = arith.addi %scan3A_126, %add3A_141 : i32
        %select_n3A_143 = arith.constant true
        %select_n3A_144 = arith.select %select_n3A_143, %add3A_142, %scan3A_126 : i32
        %eq3A_145 = arith.constant 2 : i32
        %eq3A_146 = arith.cmpi eq, %select_n3A_144, %eq3A_145 : i32
        %select_n3A_147 = arith.constant 0 : i32
        %select_n3A_148 = arith.select %eq3A_146, %select_n3A_147, %select_n3A_144 : i32
        %add3A_149 = arith.addi %select_n3A_148, %mul3A_6 : i32
        %add3A_150 = arith.constant 1 : i32
        %add3A_151 = arith.addi %select_n3A_148, %add3A_150 : i32
        %select_n3A_152 = arith.constant true
        %select_n3A_153 = arith.select %select_n3A_152, %add3A_151, %select_n3A_148 : i32
        %eq3A_154 = arith.constant 2 : i32
        %eq3A_155 = arith.cmpi eq, %select_n3A_153, %eq3A_154 : i32
        %select_n3A_156 = arith.constant 0 : i32
        %select_n3A_157 = arith.select %eq3A_155, %select_n3A_156, %select_n3A_153 : i32
        %add3A_158 = arith.addi %select_n3A_157, %mul3A_6 : i32
        %ne3A = arith.cmpi ne, %add3A_131, %add3A_149 : i32
        %or3A = arith.constant false
        %or3A_159 = arith.ori %or3A, %ne3A : i1
        %or3A_160 = arith.constant false
        %or3A_161 = arith.ori %or3A_159, %or3A_160 : i1
        %ge3A = arith.constant 1 : i32
        %ge3A_162 = arith.cmpi sge, %scan3A_121, %ge3A : i32
        %not3A = arith.constant true
        %not3A_163 = arith.xori %ge3A_162, %not3A : i1
        %and3A = arith.andi %or3A_161, %not3A_163 : i1
        %convert_element_type3A = arith.extui %and3A : i1 to i32
        %cond3A = arith.constant 0 : i32
        %cond3A_164 = arith.cmpi ne, %convert_element_type3A, %cond3A : i32
        scf.if %cond3A_164 {
          "tpu.trace_start"() <{level = 10 : i32, message = "ep_copy_in"}> : () -> ()
          %rem3A_274 = arith.constant 2 : i32
          %rem3A_275 = arith.remui %scan3A_122, %rem3A_274 : i32
          %mul3A_276 = arith.constant 1 : i32
          %mul3A_277 = arith.muli %mul3A_276, %add3A_149 : i32
          %dma_start3A_278 = arith.constant 0 : i32
          %dma_start3A_279 = arith.constant 0 : i32
          %dma_start3A_280 = tpu.memref_slice %run_scoped3A[%rem3A_275, %dma_start3A_278, %dma_start3A_279] : memref<2x1x128xi32, #tpu.memory_space<vmem>> -> memref<1x1x128xi32, #tpu.memory_space<vmem>>
          %dma_start3A_281 = tpu.memref_squeeze %dma_start3A_280 : memref<1x1x128xi32, #tpu.memory_space<vmem>> -> memref<1x128xi32, #tpu.memory_space<vmem>>
          %dma_start3A_282 = arith.constant 0 : i32
          %dma_start3A_283 = tpu.memref_slice %arg3[%mul3A_277, %dma_start3A_282] : memref<64x128xi32, #tpu.memory_space<hbm>> -> memref<1x128xi32, #tpu.memory_space<hbm>>
          %dma_start3A_284 = tpu.memref_slice %run_scoped3A_7[%rem3A_275] : memref<2x!tpu.dma_semaphore, #tpu.memory_space<semaphore_mem>> -> memref<1x!tpu.dma_semaphore, #tpu.memory_space<semaphore_mem>>
          %dma_start3A_285 = tpu.memref_squeeze %dma_start3A_284 : memref<1x!tpu.dma_semaphore, #tpu.memory_space<semaphore_mem>> -> memref<!tpu.dma_semaphore, #tpu.memory_space<semaphore_mem>>
          %dma_start3A_286 = arith.constant 0 : i32
          %dma_start3A_287 = arith.constant 0 : i32
          %dma_start3A_288 = tpu.memref_slice %run_scoped3A[%rem3A_275, %dma_start3A_286, %dma_start3A_287] : memref<2x1x128xi32, #tpu.memory_space<vmem>> -> memref<1x1x128xi32, #tpu.memory_space<vmem>>
          %dma_start3A_289 = tpu.memref_squeeze %dma_start3A_288 : memref<1x1x128xi32, #tpu.memory_space<vmem>> -> memref<1x128xi32, #tpu.memory_space<vmem>>
          %dma_start3A_290 = arith.constant 0 : i32
          %dma_start3A_291 = tpu.memref_slice %arg3[%mul3A_277, %dma_start3A_290] : memref<64x128xi32, #tpu.memory_space<hbm>> -> memref<1x128xi32, #tpu.memory_space<hbm>>
          tpu.enqueue_dma source(%dma_start3A_291 : memref<1x128xi32, #tpu.memory_space<hbm>>) target(%dma_start3A_289 : memref<1x128xi32, #tpu.memory_space<vmem>>) target_semaphore(%dma_start3A_285 : memref<!tpu.dma_semaphore, #tpu.memory_space<semaphore_mem>>)
          "tpu.trace_stop"() : () -> ()
        } else {
        }
        %and3A_165 = arith.constant true
        %and3A_166 = arith.andi %and3A, %and3A_165 : i1
        %add3A_167 = arith.constant 1 : i32
        %add3A_168 = arith.addi %scan3A_122, %add3A_167 : i32
        %select_n3A_169 = arith.select %and3A_166, %add3A_168, %scan3A_122 : i32
        %ne3A_170 = arith.cmpi ne, %add3A_131, %add3A_149 : i32
        %or3A_171 = arith.constant false
        %or3A_172 = arith.ori %or3A_171, %ne3A_170 : i1
        %or3A_173 = arith.constant false
        %or3A_174 = arith.ori %or3A_172, %or3A_173 : i1
        %ge3A_175 = arith.constant 1 : i32
        %ge3A_176 = arith.cmpi sge, %scan3A_121, %ge3A_175 : i32
        %not3A_177 = arith.constant true
        %not3A_178 = arith.xori %ge3A_176, %not3A_177 : i1
        %and3A_179 = arith.andi %or3A_174, %not3A_178 : i1
        %ne3A_180 = arith.cmpi ne, %add3A_131, %add3A_140 : i32
        %or3A_181 = arith.constant false
        %or3A_182 = arith.ori %or3A_181, %ne3A_180 : i1
        %or3A_183 = arith.constant false
        %or3A_184 = arith.ori %or3A_182, %or3A_183 : i1
        %or3A_185 = arith.ori %or3A_184, %eq3A_128 : i1
        %convert_element_type3A_186 = arith.extui %or3A_185 : i1 to i32
        %cond3A_187 = arith.constant 0 : i32
        %cond3A_188 = arith.cmpi ne, %convert_element_type3A_186, %cond3A_187 : i32
        scf.if %cond3A_188 {
          "tpu.trace_start"() <{level = 10 : i32, message = "ep_wait_in"}> : () -> ()
          %mul3A_274 = arith.constant 1 : i32
          %mul3A_275 = arith.muli %mul3A_274, %add3A_131 : i32
          %rem3A_276 = arith.constant 2 : i32
          %rem3A_277 = arith.remui %scan3A_123, %rem3A_276 : i32
          %dma_wait3A_278 = arith.constant 0 : i32
          %dma_wait3A_279 = arith.constant 0 : i32
          %dma_wait3A_280 = tpu.memref_slice %run_scoped3A[%rem3A_277, %dma_wait3A_278, %dma_wait3A_279] : memref<2x1x128xi32, #tpu.memory_space<vmem>> -> memref<1x1x128xi32, #tpu.memory_space<vmem>>
          %dma_wait3A_281 = tpu.memref_squeeze %dma_wait3A_280 : memref<1x1x128xi32, #tpu.memory_space<vmem>> -> memref<1x128xi32, #tpu.memory_space<vmem>>
          %dma_wait3A_282 = arith.constant 0 : i32
          %dma_wait3A_283 = tpu.memref_slice %arg3[%mul3A_275, %dma_wait3A_282] : memref<64x128xi32, #tpu.memory_space<hbm>> -> memref<1x128xi32, #tpu.memory_space<hbm>>
          %dma_wait3A_284 = tpu.memref_slice %run_scoped3A_7[%rem3A_277] : memref<2x!tpu.dma_semaphore, #tpu.memory_space<semaphore_mem>> -> memref<1x!tpu.dma_semaphore, #tpu.memory_space<semaphore_mem>>
          %dma_wait3A_285 = tpu.memref_squeeze %dma_wait3A_284 : memref<1x!tpu.dma_semaphore, #tpu.memory_space<semaphore_mem>> -> memref<!tpu.dma_semaphore, #tpu.memory_space<semaphore_mem>>
          %dma_wait3A_286 = arith.constant 0 : i32
          %dma_wait3A_287 = arith.constant 0 : i32
          %dma_wait3A_288 = tpu.memref_slice %run_scoped3A[%rem3A_277, %dma_wait3A_286, %dma_wait3A_287] : memref<2x1x128xi32, #tpu.memory_space<vmem>> -> memref<1x1x128xi32, #tpu.memory_space<vmem>>
          %dma_wait3A_289 = tpu.memref_squeeze %dma_wait3A_288 : memref<1x1x128xi32, #tpu.memory_space<vmem>> -> memref<1x128xi32, #tpu.memory_space<vmem>>
          %dma_wait3A_290 = arith.constant 0 : i32
          %dma_wait3A_291 = tpu.memref_slice %arg3[%mul3A_275, %dma_wait3A_290] : memref<64x128xi32, #tpu.memory_space<hbm>> -> memref<1x128xi32, #tpu.memory_space<hbm>>
          tpu.wait_dma2 semaphore(%dma_wait3A_285 : memref<!tpu.dma_semaphore, #tpu.memory_space<semaphore_mem>>) src(%dma_wait3A_291 : memref<1x128xi32, #tpu.memory_space<hbm>>) dst(%dma_wait3A_289 : memref<1x128xi32, #tpu.memory_space<vmem>>)
          "tpu.trace_stop"() : () -> ()
        } else {
        }
        %ne3A_189 = arith.cmpi ne, %add3A_131, %add3A_140 : i32
        %or3A_190 = arith.constant false
        %or3A_191 = arith.ori %or3A_190, %ne3A_189 : i1
        %or3A_192 = arith.constant false
        %or3A_193 = arith.ori %or3A_191, %or3A_192 : i1
        %or3A_194 = arith.ori %or3A_193, %eq3A_128 : i1
        %convert_element_type3A_195 = arith.extui %or3A_194 : i1 to i32
        %cond3A_196 = arith.constant 0 : i32
        %cond3A_197 = arith.cmpi ne, %convert_element_type3A_195, %cond3A_196 : i32
        scf.if %cond3A_197 {
        } else {
        }
        %rem3A_198 = arith.constant 2 : i32
        %rem3A_199 = arith.remui %scan3A_123, %rem3A_198 : i32
        %rem3A_200 = arith.constant 2 : i32
        %rem3A_201 = arith.remui %scan3A_124, %rem3A_200 : i32
        %run_scoped3A_202 = arith.constant 0 : i32
        "tpu.trace_start"() <{level = 10 : i32, message = "ep_run_kernel"}> : () -> ()
        "tpu.region"() ({
          %run_scoped3A_274 = tpu.sem_alloc : memref<!tpu.dma_semaphore, #tpu.memory_space<semaphore_mem>>
          %dma_start3A_275 = arith.constant 0 : i32
          %dma_start3A_276 = arith.constant 0 : i32
          %dma_start3A_277 = tpu.memref_slice %run_scoped3A_8[%rem3A_201, %dma_start3A_275, %dma_start3A_276] : memref<2x128x128xf32, #tpu.memory_space<vmem>> -> memref<1x128x128xf32, #tpu.memory_space<vmem>>
          %dma_start3A_278 = tpu.memref_squeeze %dma_start3A_277 : memref<1x128x128xf32, #tpu.memory_space<vmem>> -> memref<128x128xf32, #tpu.memory_space<vmem>>
          %dma_start3A_279 = arith.constant 0 : i32
          %dma_start3A_280 = arith.constant 0 : i32
          %dma_start3A_281 = tpu.memref_slice %run_scoped3A[%rem3A_199, %dma_start3A_279, %dma_start3A_280] : memref<2x1x128xi32, #tpu.memory_space<vmem>> -> memref<1x1x128xi32, #tpu.memory_space<vmem>>
          %dma_start3A_282 = tpu.memref_squeeze %dma_start3A_281 : memref<1x1x128xi32, #tpu.memory_space<vmem>> -> memref<1x128xi32, #tpu.memory_space<vmem>>
          %dma_start3A_283 = arith.constant 0 : i32
          %dma_start3A_284 = tpu.memref_slice %dma_start3A_282[%run_scoped3A_202, %dma_start3A_283] : memref<1x128xi32, #tpu.memory_space<vmem>> -> memref<1x128xi32, #tpu.memory_space<vmem>>
          %dma_start3A_285 = tpu.memref_squeeze %dma_start3A_284 : memref<1x128xi32, #tpu.memory_space<vmem>> -> memref<128xi32, #tpu.memory_space<vmem>>
          %dma_start3A_286 = arith.constant 0 : i32
          %dma_start3A_287 = arith.constant 0 : i32
          %dma_start3A_288 = tpu.memref_slice %arg2[%dma_start3A_286, %dma_start3A_287] : memref<8704x128xf32, #tpu.memory_space<hbm>> -> memref<8704x128xf32, #tpu.memory_space<hbm>>
          tpu.enqueue_indirect_dma source(%dma_start3A_288 : memref<8704x128xf32, #tpu.memory_space<hbm>>) target(%dma_start3A_278 : memref<128x128xf32, #tpu.memory_space<vmem>>) offsets(%dma_start3A_285 : memref<128xi32, #tpu.memory_space<vmem>>) semaphore(%run_scoped3A_274 : memref<!tpu.dma_semaphore, #tpu.memory_space<semaphore_mem>>)
          %dma_wait3A_289 = arith.constant 0 : i32
          %dma_wait3A_290 = arith.constant 0 : i32
          %dma_wait3A_291 = tpu.memref_slice %run_scoped3A_8[%rem3A_201, %dma_wait3A_289, %dma_wait3A_290] : memref<2x128x128xf32, #tpu.memory_space<vmem>> -> memref<1x128x128xf32, #tpu.memory_space<vmem>>
          %dma_wait3A_292 = tpu.memref_squeeze %dma_wait3A_291 : memref<1x128x128xf32, #tpu.memory_space<vmem>> -> memref<128x128xf32, #tpu.memory_space<vmem>>
          %dma_wait3A_293 = arith.constant 0 : i32
          %dma_wait3A_294 = arith.constant 0 : i32
          %dma_wait3A_295 = tpu.memref_slice %run_scoped3A[%rem3A_199, %dma_wait3A_293, %dma_wait3A_294] : memref<2x1x128xi32, #tpu.memory_space<vmem>> -> memref<1x1x128xi32, #tpu.memory_space<vmem>>
          %dma_wait3A_296 = tpu.memref_squeeze %dma_wait3A_295 : memref<1x1x128xi32, #tpu.memory_space<vmem>> -> memref<1x128xi32, #tpu.memory_space<vmem>>
          %dma_wait3A_297 = arith.constant 0 : i32
          %dma_wait3A_298 = tpu.memref_slice %dma_wait3A_296[%run_scoped3A_202, %dma_wait3A_297] : memref<1x128xi32, #tpu.memory_space<vmem>> -> memref<1x128xi32, #tpu.memory_space<vmem>>
          %dma_wait3A_299 = tpu.memref_squeeze %dma_wait3A_298 : memref<1x128xi32, #tpu.memory_space<vmem>> -> memref<128xi32, #tpu.memory_space<vmem>>
          %dma_wait3A_300 = arith.constant 0 : i32
          %dma_wait3A_301 = arith.constant 0 : i32
          %dma_wait3A_302 = tpu.memref_slice %arg2[%dma_wait3A_300, %dma_wait3A_301] : memref<8704x128xf32, #tpu.memory_space<hbm>> -> memref<8704x128xf32, #tpu.memory_space<hbm>>
          tpu.wait_indirect_dma semaphore(%run_scoped3A_274 : memref<!tpu.dma_semaphore, #tpu.memory_space<semaphore_mem>>) src(%dma_wait3A_302 : memref<8704x128xf32, #tpu.memory_space<hbm>>) dst(%dma_wait3A_292 : memref<128x128xf32, #tpu.memory_space<vmem>>)
          tpu.yield
        }) : () -> ()
        "tpu.trace_stop"() : () -> ()
        %ne3A_203 = arith.cmpi ne, %add3A_131, %add3A_149 : i32
        %or3A_204 = arith.constant false
        %or3A_205 = arith.ori %or3A_204, %ne3A_203 : i1
        %or3A_206 = arith.constant false
        %or3A_207 = arith.ori %or3A_205, %or3A_206 : i1
        %or3A_208 = arith.ori %or3A_207, %eq3A_130 : i1
        %convert_element_type3A_209 = arith.extui %or3A_208 : i1 to i32
        %cond3A_210 = arith.constant 0 : i32
        %cond3A_211 = arith.cmpi ne, %convert_element_type3A_209, %cond3A_210 : i32
        scf.if %cond3A_211 {
        } else {
        }
        %and3A_212 = arith.constant false
        %and3A_213 = arith.andi %or3A_208, %and3A_212 : i1
        %ne3A_214 = arith.cmpi ne, %add3A_131, %add3A_149 : i32
        %or3A_215 = arith.constant false
        %or3A_216 = arith.ori %or3A_215, %ne3A_214 : i1
        %or3A_217 = arith.constant false
        %or3A_218 = arith.ori %or3A_216, %or3A_217 : i1
        %or3A_219 = arith.ori %or3A_218, %eq3A_130 : i1
        %convert_element_type3A_220 = arith.extui %or3A_219 : i1 to i32
        %cond3A_221 = arith.constant 0 : i32
        %cond3A_222 = arith.cmpi ne, %convert_element_type3A_220, %cond3A_221 : i32
        scf.if %cond3A_222 {
          "tpu.trace_start"() <{level = 10 : i32, message = "ep_copy_out"}> : () -> ()
          %rem3A_274 = arith.constant 2 : i32
          %rem3A_275 = arith.remui %scan3A_124, %rem3A_274 : i32
          %mul3A_276 = arith.constant 128 : i32
          %mul3A_277 = arith.muli %mul3A_276, %add3A_131 : i32
          %dma_start3A_278 = arith.constant 0 : i32
          %dma_start3A_279 = arith.constant 0 : i32
          %dma_start3A_280 = tpu.memref_slice %run_scoped3A_8[%rem3A_275, %dma_start3A_278, %dma_start3A_279] : memref<2x128x128xf32, #tpu.memory_space<vmem>> -> memref<1x128x128xf32, #tpu.memory_space<vmem>>
          %dma_start3A_281 = tpu.memref_squeeze %dma_start3A_280 : memref<1x128x128xf32, #tpu.memory_space<vmem>> -> memref<128x128xf32, #tpu.memory_space<vmem>>
          %dma_start3A_282 = arith.constant 0 : i32
          %dma_start3A_283 = tpu.memref_slice %arg4[%mul3A_277, %dma_start3A_282] : memref<8192x128xf32, #tpu.memory_space<hbm>> -> memref<128x128xf32, #tpu.memory_space<hbm>>
          %dma_start3A_284 = tpu.memref_slice %run_scoped3A_9[%rem3A_275] : memref<2x!tpu.dma_semaphore, #tpu.memory_space<semaphore_mem>> -> memref<1x!tpu.dma_semaphore, #tpu.memory_space<semaphore_mem>>
          %dma_start3A_285 = tpu.memref_squeeze %dma_start3A_284 : memref<1x!tpu.dma_semaphore, #tpu.memory_space<semaphore_mem>> -> memref<!tpu.dma_semaphore, #tpu.memory_space<semaphore_mem>>
          %dma_start3A_286 = arith.constant 0 : i32
          %dma_start3A_287 = tpu.memref_slice %arg4[%mul3A_277, %dma_start3A_286] : memref<8192x128xf32, #tpu.memory_space<hbm>> -> memref<128x128xf32, #tpu.memory_space<hbm>>
          %dma_start3A_288 = arith.constant 0 : i32
          %dma_start3A_289 = arith.constant 0 : i32
          %dma_start3A_290 = tpu.memref_slice %run_scoped3A_8[%rem3A_275, %dma_start3A_288, %dma_start3A_289] : memref<2x128x128xf32, #tpu.memory_space<vmem>> -> memref<1x128x128xf32, #tpu.memory_space<vmem>>
          %dma_start3A_291 = tpu.memref_squeeze %dma_start3A_290 : memref<1x128x128xf32, #tpu.memory_space<vmem>> -> memref<128x128xf32, #tpu.memory_space<vmem>>
          tpu.enqueue_dma source(%dma_start3A_291 : memref<128x128xf32, #tpu.memory_space<vmem>>) target(%dma_start3A_287 : memref<128x128xf32, #tpu.memory_space<hbm>>) target_semaphore(%dma_start3A_285 : memref<!tpu.dma_semaphore, #tpu.memory_space<semaphore_mem>>)
          "tpu.trace_stop"() : () -> ()
        } else {
        }
        %and3A_223 = arith.constant true
        %and3A_224 = arith.andi %or3A_219, %and3A_223 : i1
        %add3A_225 = arith.constant 1 : i32
        %add3A_226 = arith.addi %scan3A_124, %add3A_225 : i32
        %select_n3A_227 = arith.select %and3A_224, %add3A_226, %scan3A_124 : i32
        %ne3A_228 = arith.cmpi ne, %add3A_131, %add3A_140 : i32
        %or3A_229 = arith.constant false
        %or3A_230 = arith.ori %or3A_229, %ne3A_228 : i1
        %or3A_231 = arith.constant false
        %or3A_232 = arith.ori %or3A_230, %or3A_231 : i1
        %not3A_233 = arith.constant true
        %not3A_234 = arith.xori %eq3A_128, %not3A_233 : i1
        %and3A_235 = arith.andi %or3A_232, %not3A_234 : i1
        %convert_element_type3A_236 = arith.extui %and3A_235 : i1 to i32
        %cond3A_237 = arith.constant 0 : i32
        %cond3A_238 = arith.cmpi ne, %convert_element_type3A_236, %cond3A_237 : i32
        scf.if %cond3A_238 {
        } else {
        }
        %and3A_239 = arith.constant false
        %and3A_240 = arith.andi %and3A_235, %and3A_239 : i1
        %ne3A_241 = arith.cmpi ne, %add3A_131, %add3A_140 : i32
        %or3A_242 = arith.constant false
        %or3A_243 = arith.ori %or3A_242, %ne3A_241 : i1
        %or3A_244 = arith.constant false
        %or3A_245 = arith.ori %or3A_243, %or3A_244 : i1
        %not3A_246 = arith.constant true
        %not3A_247 = arith.xori %eq3A_128, %not3A_246 : i1
        %and3A_248 = arith.andi %or3A_245, %not3A_247 : i1
        %convert_element_type3A_249 = arith.extui %and3A_248 : i1 to i32
        %cond3A_250 = arith.constant 0 : i32
        %cond3A_251 = arith.cmpi ne, %convert_element_type3A_249, %cond3A_250 : i32
        scf.if %cond3A_251 {
          "tpu.trace_start"() <{level = 10 : i32, message = "ep_wait_out"}> : () -> ()
          %rem3A_274 = arith.constant 2 : i32
          %rem3A_275 = arith.remui %scan3A_125, %rem3A_274 : i32
          %mul3A_276 = arith.constant 128 : i32
          %mul3A_277 = arith.muli %mul3A_276, %add3A_140 : i32
          %dma_wait3A_278 = arith.constant 0 : i32
          %dma_wait3A_279 = arith.constant 0 : i32
          %dma_wait3A_280 = tpu.memref_slice %run_scoped3A_8[%rem3A_275, %dma_wait3A_278, %dma_wait3A_279] : memref<2x128x128xf32, #tpu.memory_space<vmem>> -> memref<1x128x128xf32, #tpu.memory_space<vmem>>
          %dma_wait3A_281 = tpu.memref_squeeze %dma_wait3A_280 : memref<1x128x128xf32, #tpu.memory_space<vmem>> -> memref<128x128xf32, #tpu.memory_space<vmem>>
          %dma_wait3A_282 = arith.constant 0 : i32
          %dma_wait3A_283 = tpu.memref_slice %arg4[%mul3A_277, %dma_wait3A_282] : memref<8192x128xf32, #tpu.memory_space<hbm>> -> memref<128x128xf32, #tpu.memory_space<hbm>>
          %dma_wait3A_284 = tpu.memref_slice %run_scoped3A_9[%rem3A_275] : memref<2x!tpu.dma_semaphore, #tpu.memory_space<semaphore_mem>> -> memref<1x!tpu.dma_semaphore, #tpu.memory_space<semaphore_mem>>
          %dma_wait3A_285 = tpu.memref_squeeze %dma_wait3A_284 : memref<1x!tpu.dma_semaphore, #tpu.memory_space<semaphore_mem>> -> memref<!tpu.dma_semaphore, #tpu.memory_space<semaphore_mem>>
          %dma_wait3A_286 = arith.constant 0 : i32
          %dma_wait3A_287 = tpu.memref_slice %arg4[%mul3A_277, %dma_wait3A_286] : memref<8192x128xf32, #tpu.memory_space<hbm>> -> memref<128x128xf32, #tpu.memory_space<hbm>>
          %dma_wait3A_288 = arith.constant 0 : i32
          %dma_wait3A_289 = arith.constant 0 : i32
          %dma_wait3A_290 = tpu.memref_slice %run_scoped3A_8[%rem3A_275, %dma_wait3A_288, %dma_wait3A_289] : memref<2x128x128xf32, #tpu.memory_space<vmem>> -> memref<1x128x128xf32, #tpu.memory_space<vmem>>
          %dma_wait3A_291 = tpu.memref_squeeze %dma_wait3A_290 : memref<1x128x128xf32, #tpu.memory_space<vmem>> -> memref<128x128xf32, #tpu.memory_space<vmem>>
          tpu.wait_dma2 semaphore(%dma_wait3A_285 : memref<!tpu.dma_semaphore, #tpu.memory_space<semaphore_mem>>) src(%dma_wait3A_291 : memref<128x128xf32, #tpu.memory_space<vmem>>) dst(%dma_wait3A_287 : memref<128x128xf32, #tpu.memory_space<hbm>>)
          "tpu.trace_stop"() : () -> ()
        } else {
        }
        %and3A_252 = arith.constant true
        %and3A_253 = arith.andi %and3A_248, %and3A_252 : i1
        %add3A_254 = arith.constant 1 : i32
        %add3A_255 = arith.addi %scan3A_125, %add3A_254 : i32
        %select_n3A_256 = arith.select %and3A_253, %add3A_255, %scan3A_125 : i32
        %ne3A_257 = arith.cmpi ne, %add3A_131, %add3A_149 : i32
        %or3A_258 = arith.constant false
        %or3A_259 = arith.ori %or3A_258, %ne3A_257 : i1
        %or3A_260 = arith.constant false
        %or3A_261 = arith.ori %or3A_259, %or3A_260 : i1
        %or3A_262 = arith.ori %or3A_261, %eq3A_130 : i1
        %add3A_263 = arith.constant 1 : i32
        %add3A_264 = arith.addi %scan3A_123, %add3A_263 : i32
        %select_n3A_265 = arith.select %or3A_262, %add3A_264, %scan3A_123 : i32
        %add3A_266 = arith.constant 1 : i32
        %add3A_267 = arith.addi %scan3A_126, %add3A_266 : i32
        %select_n3A_268 = arith.constant true
        %select_n3A_269 = arith.select %select_n3A_268, %add3A_267, %scan3A_126 : i32
        %eq3A_270 = arith.constant 2 : i32
        %eq3A_271 = arith.cmpi eq, %select_n3A_269, %eq3A_270 : i32
        %select_n3A_272 = arith.constant 0 : i32
        %select_n3A_273 = arith.select %eq3A_271, %select_n3A_272, %select_n3A_269 : i32
        scf.yield %select_n3A_169, %select_n3A_265, %select_n3A_227, %select_n3A_256, %select_n3A_273 : i32, i32, i32, i32, i32
      }
      %scan3A_68 = arith.constant 2 : i32
      %sub3A = arith.constant 1 : i32
      %sub3A_69 = arith.subi %scan3A_67#4, %sub3A : i32
      %select_n3A_70 = arith.constant true
      %select_n3A_71 = arith.select %select_n3A_70, %sub3A_69, %scan3A_67#4 : i32
      %eq3A_72 = arith.constant -1 : i32
      %eq3A_73 = arith.cmpi eq, %select_n3A_71, %eq3A_72 : i32
      %select_n3A_74 = arith.constant 1 : i32
      %select_n3A_75 = arith.select %eq3A_73, %select_n3A_74, %select_n3A_71 : i32
      %add3A_76 = arith.addi %select_n3A_75, %mul3A_6 : i32
      %sub3A_77 = arith.constant 1 : i32
      %sub3A_78 = arith.subi %select_n3A_75, %sub3A_77 : i32
      %select_n3A_79 = arith.constant true
      %select_n3A_80 = arith.select %select_n3A_79, %sub3A_78, %select_n3A_75 : i32
      %eq3A_81 = arith.constant -1 : i32
      %eq3A_82 = arith.cmpi eq, %select_n3A_80, %eq3A_81 : i32
      %select_n3A_83 = arith.constant 1 : i32
      %select_n3A_84 = arith.select %eq3A_82, %select_n3A_83, %select_n3A_80 : i32
      %add3A_85 = arith.addi %select_n3A_84, %mul3A_6 : i32
      %add3A_86 = arith.constant 1 : i32
      %add3A_87 = arith.addi %select_n3A_75, %add3A_86 : i32
      %select_n3A_88 = arith.constant true
      %select_n3A_89 = arith.select %select_n3A_88, %add3A_87, %select_n3A_75 : i32
      %eq3A_90 = arith.constant 2 : i32
      %eq3A_91 = arith.cmpi eq, %select_n3A_89, %eq3A_90 : i32
      %select_n3A_92 = arith.constant 0 : i32
      %select_n3A_93 = arith.select %eq3A_91, %select_n3A_92, %select_n3A_89 : i32
      %add3A_94 = arith.addi %select_n3A_93, %mul3A_6 : i32
      %add3A_95 = arith.constant 1 : i32
      %add3A_96 = arith.addi %select_n3A_93, %add3A_95 : i32
      %select_n3A_97 = arith.constant true
      %select_n3A_98 = arith.select %select_n3A_97, %add3A_96, %select_n3A_93 : i32
      %eq3A_99 = arith.constant 2 : i32
      %eq3A_100 = arith.cmpi eq, %select_n3A_98, %eq3A_99 : i32
      %select_n3A_101 = arith.constant 0 : i32
      %select_n3A_102 = arith.select %eq3A_100, %select_n3A_101, %select_n3A_98 : i32
      %add3A_103 = arith.addi %select_n3A_102, %mul3A_6 : i32
      "tpu.trace_start"() <{level = 10 : i32, message = "ep_finalize"}> : () -> ()
      %rem3A_104 = arith.constant 2 : i32
      %rem3A_105 = arith.remui %scan3A_67#3, %rem3A_104 : i32
      %mul3A_106 = arith.constant 128 : i32
      %mul3A_107 = arith.muli %mul3A_106, %add3A_76 : i32
      %dma_wait3A = arith.constant 0 : i32
      %dma_wait3A_108 = arith.constant 0 : i32
      %dma_wait3A_109 = tpu.memref_slice %run_scoped3A_8[%rem3A_105, %dma_wait3A, %dma_wait3A_108] : memref<2x128x128xf32, #tpu.memory_space<vmem>> -> memref<1x128x128xf32, #tpu.memory_space<vmem>>
      %dma_wait3A_110 = tpu.memref_squeeze %dma_wait3A_109 : memref<1x128x128xf32, #tpu.memory_space<vmem>> -> memref<128x128xf32, #tpu.memory_space<vmem>>
      %dma_wait3A_111 = arith.constant 0 : i32
      %dma_wait3A_112 = tpu.memref_slice %arg4[%mul3A_107, %dma_wait3A_111] : memref<8192x128xf32, #tpu.memory_space<hbm>> -> memref<128x128xf32, #tpu.memory_space<hbm>>
      %dma_wait3A_113 = tpu.memref_slice %run_scoped3A_9[%rem3A_105] : memref<2x!tpu.dma_semaphore, #tpu.memory_space<semaphore_mem>> -> memref<1x!tpu.dma_semaphore, #tpu.memory_space<semaphore_mem>>
      %dma_wait3A_114 = tpu.memref_squeeze %dma_wait3A_113 : memref<1x!tpu.dma_semaphore, #tpu.memory_space<semaphore_mem>> -> memref<!tpu.dma_semaphore, #tpu.memory_space<semaphore_mem>>
      %dma_wait3A_115 = arith.constant 0 : i32
      %dma_wait3A_116 = tpu.memref_slice %arg4[%mul3A_107, %dma_wait3A_115] : memref<8192x128xf32, #tpu.memory_space<hbm>> -> memref<128x128xf32, #tpu.memory_space<hbm>>
      %dma_wait3A_117 = arith.constant 0 : i32
      %dma_wait3A_118 = arith.constant 0 : i32
      %dma_wait3A_119 = tpu.memref_slice %run_scoped3A_8[%rem3A_105, %dma_wait3A_117, %dma_wait3A_118] : memref<2x128x128xf32, #tpu.memory_space<vmem>> -> memref<1x128x128xf32, #tpu.memory_space<vmem>>
      %dma_wait3A_120 = tpu.memref_squeeze %dma_wait3A_119 : memref<1x128x128xf32, #tpu.memory_space<vmem>> -> memref<128x128xf32, #tpu.memory_space<vmem>>
      tpu.wait_dma2 semaphore(%dma_wait3A_114 : memref<!tpu.dma_semaphore, #tpu.memory_space<semaphore_mem>>) src(%dma_wait3A_120 : memref<128x128xf32, #tpu.memory_space<vmem>>) dst(%dma_wait3A_116 : memref<128x128xf32, #tpu.memory_space<hbm>>)
      "tpu.trace_stop"() : () -> ()
      tpu.yield
    }) : () -> ()
    return
  }
}

#map = affine_map<(d0, d1) -> (0, 0)>
#map1 = affine_map<(d0, d1) -> (0, 0, 0)>
module attributes {stable_mosaic.version = 14 : i64} {
  func.func @k(%arg0: i32, %arg1: i32, %arg2: memref<8192x1024xf32, #tpu.memory_space<hbm>>, %arg3: memref<4x64x128xi32, #tpu.memory_space<hbm>>, %arg4: memref<34816x256xf32, #tpu.memory_space<hbm>>) attributes {dimension_semantics = [#tpu.dimension_semantics<core_parallel>, #tpu.dimension_semantics<subcore_parallel>], iteration_bounds = array<i64: 2, 16>, scalar_prefetch = 0 : i64, scratch_operands = 0 : i64, tpu.core_type = #tpu.core_type<sc_vector_subcore>, window_params = [{transform_indices = #map}, {transform_indices = #map1}, {transform_indices = #map}]} {
    %mul3A = arith.constant 1 : i32
    %mul3A_0 = arith.muli %arg1, %mul3A : i32
    %add3A = arith.constant 0 : i32
    %add3A_1 = arith.addi %add3A, %mul3A_0 : i32
    %mul3A_2 = arith.constant 16 : i32
    %mul3A_3 = arith.muli %arg0, %mul3A_2 : i32
    %add3A_4 = arith.addi %add3A_1, %mul3A_3 : i32
    %mul3A_5 = arith.constant 2 : i32
    %mul3A_6 = arith.muli %add3A_4, %mul3A_5 : i32
    "tpu.region"() ({
      %run_scoped3A = memref.alloca() : memref<2x128x256xf32, #tpu.memory_space<vmem>>
      %run_scoped3A_7 = tpu.sem_alloc : memref<2x!tpu.dma_semaphore, #tpu.memory_space<semaphore_mem>>
      %run_scoped3A_8 = memref.alloca() : memref<2x1x1x128xi32, #tpu.memory_space<vmem>>
      %run_scoped3A_9 = tpu.sem_alloc : memref<2x!tpu.dma_semaphore, #tpu.memory_space<semaphore_mem>>
      %add3A_10 = arith.constant 0 : i32
      %add3A_11 = arith.addi %add3A_10, %mul3A_6 : i32
      %select_n3A = arith.constant true
      %select_n3A_12 = arith.constant 0 : i32
      %select_n3A_13 = arith.constant -1 : i32
      %select_n3A_14 = arith.select %select_n3A, %select_n3A_13, %select_n3A_12 : i32
      %eq3A = arith.constant -1 : i32
      %eq3A_15 = arith.cmpi eq, %select_n3A_14, %eq3A : i32
      %select_n3A_16 = arith.constant 3 : i32
      %select_n3A_17 = arith.select %eq3A_15, %select_n3A_16, %select_n3A_14 : i32
      %select_n3A_18 = arith.constant 0 : i32
      %select_n3A_19 = arith.constant -1 : i32
      %select_n3A_20 = arith.select %eq3A_15, %select_n3A_19, %select_n3A_18 : i32
      %eq3A_21 = arith.constant -1 : i32
      %eq3A_22 = arith.cmpi eq, %select_n3A_20, %eq3A_21 : i32
      %select_n3A_23 = arith.constant 1 : i32
      %select_n3A_24 = arith.select %eq3A_22, %select_n3A_23, %select_n3A_20 : i32
      %add3A_25 = arith.addi %select_n3A_24, %mul3A_6 : i32
      %add3A_26 = arith.constant 0 : i32
      %add3A_27 = arith.addi %select_n3A_17, %add3A_26 : i32
      %select_n3A_28 = arith.constant true
      %select_n3A_29 = arith.constant 0 : i32
      %select_n3A_30 = arith.constant 1 : i32
      %select_n3A_31 = arith.select %select_n3A_28, %select_n3A_30, %select_n3A_29 : i32
      %eq3A_32 = arith.constant 4 : i32
      %eq3A_33 = arith.cmpi eq, %select_n3A_31, %eq3A_32 : i32
      %select_n3A_34 = arith.constant 0 : i32
      %select_n3A_35 = arith.select %eq3A_33, %select_n3A_34, %select_n3A_31 : i32
      %select_n3A_36 = arith.constant 0 : i32
      %select_n3A_37 = arith.constant 1 : i32
      %select_n3A_38 = arith.select %eq3A_33, %select_n3A_37, %select_n3A_36 : i32
      %eq3A_39 = arith.constant 2 : i32
      %eq3A_40 = arith.cmpi eq, %select_n3A_38, %eq3A_39 : i32
      %select_n3A_41 = arith.constant 0 : i32
      %select_n3A_42 = arith.select %eq3A_40, %select_n3A_41, %select_n3A_38 : i32
      %add3A_43 = arith.addi %select_n3A_42, %mul3A_6 : i32
      %add3A_44 = arith.constant 0 : i32
      %add3A_45 = arith.addi %select_n3A_35, %add3A_44 : i32
      %add3A_46 = arith.constant 1 : i32
      %add3A_47 = arith.addi %select_n3A_35, %add3A_46 : i32
      %select_n3A_48 = arith.constant true
      %select_n3A_49 = arith.select %select_n3A_48, %add3A_47, %select_n3A_35 : i32
      %eq3A_50 = arith.constant 4 : i32
      %eq3A_51 = arith.cmpi eq, %select_n3A_49, %eq3A_50 : i32
      %select_n3A_52 = arith.constant 0 : i32
      %select_n3A_53 = arith.select %eq3A_51, %select_n3A_52, %select_n3A_49 : i32
      %add3A_54 = arith.constant 1 : i32
      %add3A_55 = arith.addi %select_n3A_42, %add3A_54 : i32
      %select_n3A_56 = arith.select %eq3A_51, %add3A_55, %select_n3A_42 : i32
      %eq3A_57 = arith.constant 2 : i32
      %eq3A_58 = arith.cmpi eq, %select_n3A_56, %eq3A_57 : i32
      %select_n3A_59 = arith.constant 0 : i32
      %select_n3A_60 = arith.select %eq3A_58, %select_n3A_59, %select_n3A_56 : i32
      %add3A_61 = arith.addi %select_n3A_60, %mul3A_6 : i32
      %add3A_62 = arith.constant 0 : i32
      %add3A_63 = arith.addi %select_n3A_53, %add3A_62 : i32
      "tpu.trace_start"() <{level = 10 : i32, message = "ep_initialize_0"}> : () -> ()
      %rem3A = arith.constant 0 : i32
      %rem3A_64 = arith.constant 2 : i32
      %rem3A_65 = arith.remui %rem3A, %rem3A_64 : i32
      %add3A_66 = arith.constant 0 : i32
      %add3A_67 = arith.addi %add3A_66, %add3A_11 : i32
      %mul3A_68 = arith.constant 128 : i32
      %mul3A_69 = arith.muli %mul3A_68, %add3A_67 : i32
      %dma_start3A = arith.constant 0 : i32
      %dma_start3A_70 = arith.constant 0 : i32
      %dma_start3A_71 = tpu.memref_slice %run_scoped3A[%rem3A_65, %dma_start3A, %dma_start3A_70] : memref<2x128x256xf32, #tpu.memory_space<vmem>> -> memref<1x128x256xf32, #tpu.memory_space<vmem>>
      %dma_start3A_72 = tpu.memref_squeeze %dma_start3A_71 : memref<1x128x256xf32, #tpu.memory_space<vmem>> -> memref<128x256xf32, #tpu.memory_space<vmem>>
      %dma_start3A_73 = arith.constant 0 : i32
      %dma_start3A_74 = tpu.memref_slice %arg2[%mul3A_69, %dma_start3A_73] : memref<8192x1024xf32, #tpu.memory_space<hbm>> -> memref<128x256xf32, #tpu.memory_space<hbm>>
      %dma_start3A_75 = tpu.memref_slice %run_scoped3A_7[%rem3A_65] : memref<2x!tpu.dma_semaphore, #tpu.memory_space<semaphore_mem>> -> memref<1x!tpu.dma_semaphore, #tpu.memory_space<semaphore_mem>>
      %dma_start3A_76 = tpu.memref_squeeze %dma_start3A_75 : memref<1x!tpu.dma_semaphore, #tpu.memory_space<semaphore_mem>> -> memref<!tpu.dma_semaphore, #tpu.memory_space<semaphore_mem>>
      %dma_start3A_77 = arith.constant 0 : i32
      %dma_start3A_78 = arith.constant 0 : i32
      %dma_start3A_79 = tpu.memref_slice %run_scoped3A[%rem3A_65, %dma_start3A_77, %dma_start3A_78] : memref<2x128x256xf32, #tpu.memory_space<vmem>> -> memref<1x128x256xf32, #tpu.memory_space<vmem>>
      %dma_start3A_80 = tpu.memref_squeeze %dma_start3A_79 : memref<1x128x256xf32, #tpu.memory_space<vmem>> -> memref<128x256xf32, #tpu.memory_space<vmem>>
      %dma_start3A_81 = arith.constant 0 : i32
      %dma_start3A_82 = tpu.memref_slice %arg2[%mul3A_69, %dma_start3A_81] : memref<8192x1024xf32, #tpu.memory_space<hbm>> -> memref<128x256xf32, #tpu.memory_space<hbm>>
      tpu.enqueue_dma source(%dma_start3A_82 : memref<128x256xf32, #tpu.memory_space<hbm>>) target(%dma_start3A_80 : memref<128x256xf32, #tpu.memory_space<vmem>>) target_semaphore(%dma_start3A_76 : memref<!tpu.dma_semaphore, #tpu.memory_space<semaphore_mem>>)
      %add3A_83 = arith.constant 0 : i32
      %add3A_84 = arith.constant 1 : i32
      %add3A_85 = arith.addi %add3A_83, %add3A_84 : i32
      %select_n3A_86 = arith.constant true
      %select_n3A_87 = arith.constant 0 : i32
      %select_n3A_88 = arith.select %select_n3A_86, %add3A_85, %select_n3A_87 : i32
      %rem3A_89 = arith.constant 0 : i32
      %rem3A_90 = arith.constant 2 : i32
      %rem3A_91 = arith.remui %rem3A_89, %rem3A_90 : i32
      %mul3A_92 = arith.constant 1 : i32
      %mul3A_93 = arith.muli %mul3A_92, %add3A_11 : i32
      %dma_start3A_94 = arith.constant 0 : i32
      %dma_start3A_95 = arith.constant 0 : i32
      %dma_start3A_96 = arith.constant 0 : i32
      %dma_start3A_97 = tpu.memref_slice %run_scoped3A_8[%rem3A_91, %dma_start3A_94, %dma_start3A_95, %dma_start3A_96] : memref<2x1x1x128xi32, #tpu.memory_space<vmem>> -> memref<1x1x1x128xi32, #tpu.memory_space<vmem>>
      %dma_start3A_98 = tpu.memref_squeeze %dma_start3A_97 : memref<1x1x1x128xi32, #tpu.memory_space<vmem>> -> memref<1x1x128xi32, #tpu.memory_space<vmem>>
      %dma_start3A_99 = arith.constant 0 : i32
      %dma_start3A_100 = arith.constant 0 : i32
      %dma_start3A_101 = tpu.memref_slice %arg3[%dma_start3A_99, %mul3A_93, %dma_start3A_100] : memref<4x64x128xi32, #tpu.memory_space<hbm>> -> memref<1x1x128xi32, #tpu.memory_space<hbm>>
      %dma_start3A_102 = tpu.memref_slice %run_scoped3A_9[%rem3A_91] : memref<2x!tpu.dma_semaphore, #tpu.memory_space<semaphore_mem>> -> memref<1x!tpu.dma_semaphore, #tpu.memory_space<semaphore_mem>>
      %dma_start3A_103 = tpu.memref_squeeze %dma_start3A_102 : memref<1x!tpu.dma_semaphore, #tpu.memory_space<semaphore_mem>> -> memref<!tpu.dma_semaphore, #tpu.memory_space<semaphore_mem>>
      %dma_start3A_104 = arith.constant 0 : i32
      %dma_start3A_105 = arith.constant 0 : i32
      %dma_start3A_106 = arith.constant 0 : i32
      %dma_start3A_107 = tpu.memref_slice %run_scoped3A_8[%rem3A_91, %dma_start3A_104, %dma_start3A_105, %dma_start3A_106] : memref<2x1x1x128xi32, #tpu.memory_space<vmem>> -> memref<1x1x1x128xi32, #tpu.memory_space<vmem>>
      %dma_start3A_108 = tpu.memref_squeeze %dma_start3A_107 : memref<1x1x1x128xi32, #tpu.memory_space<vmem>> -> memref<1x1x128xi32, #tpu.memory_space<vmem>>
      %dma_start3A_109 = arith.constant 0 : i32
      %dma_start3A_110 = arith.constant 0 : i32
      %dma_start3A_111 = tpu.memref_slice %arg3[%dma_start3A_109, %mul3A_93, %dma_start3A_110] : memref<4x64x128xi32, #tpu.memory_space<hbm>> -> memref<1x1x128xi32, #tpu.memory_space<hbm>>
      tpu.enqueue_dma source(%dma_start3A_111 : memref<1x1x128xi32, #tpu.memory_space<hbm>>) target(%dma_start3A_108 : memref<1x1x128xi32, #tpu.memory_space<vmem>>) target_semaphore(%dma_start3A_103 : memref<!tpu.dma_semaphore, #tpu.memory_space<semaphore_mem>>)
      %add3A_112 = arith.constant 0 : i32
      %add3A_113 = arith.constant 1 : i32
      %add3A_114 = arith.addi %add3A_112, %add3A_113 : i32
      %select_n3A_115 = arith.constant true
      %select_n3A_116 = arith.constant 0 : i32
      %select_n3A_117 = arith.select %select_n3A_115, %add3A_114, %select_n3A_116 : i32
      "tpu.trace_stop"() : () -> ()
      %scan3A = arith.constant 0 : i32
      %scan3A_118 = arith.constant 0 : i32
      %scan3A_119 = arith.constant 0 : i32
      %scan3A_120 = arith.constant 0 : i32
      %scan3A_121 = arith.constant 0 : i32
      %scan3A_122 = arith.constant 8 : i32
      %scan3A_123 = arith.addi %scan3A_121, %scan3A_122 : i32
      %scan3A_124 = arith.constant 1 : i32
      %scan3A_125:6 = scf.for %scan3A_198 = %scan3A_121 to %scan3A_123 step %scan3A_124 iter_args(%scan3A_199 = %select_n3A_88, %scan3A_200 = %scan3A, %scan3A_201 = %select_n3A_117, %scan3A_202 = %scan3A_118, %scan3A_203 = %scan3A_119, %scan3A_204 = %scan3A_120) -> (i32, i32, i32, i32, i32, i32)  : i32 {
        %eq3A_205 = arith.constant 0 : i32
        %eq3A_206 = arith.cmpi eq, %scan3A_198, %eq3A_205 : i32
        %eq3A_207 = arith.constant 7 : i32
        %eq3A_208 = arith.cmpi eq, %scan3A_198, %eq3A_207 : i32
        %add3A_209 = arith.addi %scan3A_203, %mul3A_6 : i32
        %add3A_210 = arith.constant 0 : i32
        %add3A_211 = arith.addi %scan3A_204, %add3A_210 : i32
        %sub3A_212 = arith.constant 1 : i32
        %sub3A_213 = arith.subi %scan3A_204, %sub3A_212 : i32
        %select_n3A_214 = arith.constant true
        %select_n3A_215 = arith.select %select_n3A_214, %sub3A_213, %scan3A_204 : i32
        %eq3A_216 = arith.constant -1 : i32
        %eq3A_217 = arith.cmpi eq, %select_n3A_215, %eq3A_216 : i32
        %select_n3A_218 = arith.constant 3 : i32
        %select_n3A_219 = arith.select %eq3A_217, %select_n3A_218, %select_n3A_215 : i32
        %sub3A_220 = arith.constant 1 : i32
        %sub3A_221 = arith.subi %scan3A_203, %sub3A_220 : i32
        %select_n3A_222 = arith.select %eq3A_217, %sub3A_221, %scan3A_203 : i32
        %eq3A_223 = arith.constant -1 : i32
        %eq3A_224 = arith.cmpi eq, %select_n3A_222, %eq3A_223 : i32
        %select_n3A_225 = arith.constant 1 : i32
        %select_n3A_226 = arith.select %eq3A_224, %select_n3A_225, %select_n3A_222 : i32
        %add3A_227 = arith.addi %select_n3A_226, %mul3A_6 : i32
        %add3A_228 = arith.constant 0 : i32
        %add3A_229 = arith.addi %select_n3A_219, %add3A_228 : i32
        %add3A_230 = arith.constant 1 : i32
        %add3A_231 = arith.addi %scan3A_204, %add3A_230 : i32
        %select_n3A_232 = arith.constant true
        %select_n3A_233 = arith.select %select_n3A_232, %add3A_231, %scan3A_204 : i32
        %eq3A_234 = arith.constant 4 : i32
        %eq3A_235 = arith.cmpi eq, %select_n3A_233, %eq3A_234 : i32
        %select_n3A_236 = arith.constant 0 : i32
        %select_n3A_237 = arith.select %eq3A_235, %select_n3A_236, %select_n3A_233 : i32
        %add3A_238 = arith.constant 1 : i32
        %add3A_239 = arith.addi %scan3A_203, %add3A_238 : i32
        %select_n3A_240 = arith.select %eq3A_235, %add3A_239, %scan3A_203 : i32
        %eq3A_241 = arith.constant 2 : i32
        %eq3A_242 = arith.cmpi eq, %select_n3A_240, %eq3A_241 : i32
        %select_n3A_243 = arith.constant 0 : i32
        %select_n3A_244 = arith.select %eq3A_242, %select_n3A_243, %select_n3A_240 : i32
        %add3A_245 = arith.addi %select_n3A_244, %mul3A_6 : i32
        %add3A_246 = arith.constant 0 : i32
        %add3A_247 = arith.addi %select_n3A_237, %add3A_246 : i32
        %add3A_248 = arith.constant 1 : i32
        %add3A_249 = arith.addi %select_n3A_237, %add3A_248 : i32
        %select_n3A_250 = arith.constant true
        %select_n3A_251 = arith.select %select_n3A_250, %add3A_249, %select_n3A_237 : i32
        %eq3A_252 = arith.constant 4 : i32
        %eq3A_253 = arith.cmpi eq, %select_n3A_251, %eq3A_252 : i32
        %select_n3A_254 = arith.constant 0 : i32
        %select_n3A_255 = arith.select %eq3A_253, %select_n3A_254, %select_n3A_251 : i32
        %add3A_256 = arith.constant 1 : i32
        %add3A_257 = arith.addi %select_n3A_244, %add3A_256 : i32
        %select_n3A_258 = arith.select %eq3A_253, %add3A_257, %select_n3A_244 : i32
        %eq3A_259 = arith.constant 2 : i32
        %eq3A_260 = arith.cmpi eq, %select_n3A_258, %eq3A_259 : i32
        %select_n3A_261 = arith.constant 0 : i32
        %select_n3A_262 = arith.select %eq3A_260, %select_n3A_261, %select_n3A_258 : i32
        %add3A_263 = arith.addi %select_n3A_262, %mul3A_6 : i32
        %add3A_264 = arith.constant 0 : i32
        %add3A_265 = arith.addi %select_n3A_255, %add3A_264 : i32
        %add3A_266 = arith.constant 0 : i32
        %add3A_267 = arith.addi %add3A_266, %add3A_209 : i32
        %add3A_268 = arith.constant 0 : i32
        %add3A_269 = arith.addi %add3A_268, %add3A_245 : i32
        %ne3A = arith.cmpi ne, %add3A_267, %add3A_269 : i32
        %ne3A_270 = arith.cmpi ne, %add3A_211, %add3A_247 : i32
        %or3A = arith.constant false
        %or3A_271 = arith.ori %or3A, %ne3A : i1
        %or3A_272 = arith.ori %or3A_271, %ne3A_270 : i1
        %ge3A = arith.constant 7 : i32
        %ge3A_273 = arith.cmpi sge, %scan3A_198, %ge3A : i32
        %not3A = arith.constant true
        %not3A_274 = arith.xori %ge3A_273, %not3A : i1
        %and3A = arith.andi %or3A_272, %not3A_274 : i1
        %convert_element_type3A = arith.extui %and3A : i1 to i32
        %cond3A = arith.constant 0 : i32
        %cond3A_275 = arith.cmpi ne, %convert_element_type3A, %cond3A : i32
        scf.if %cond3A_275 {
          "tpu.trace_start"() <{level = 10 : i32, message = "ep_copy_in"}> : () -> ()
          %rem3A_430 = arith.constant 2 : i32
          %rem3A_431 = arith.remui %scan3A_199, %rem3A_430 : i32
          %add3A_432 = arith.constant 0 : i32
          %add3A_433 = arith.addi %add3A_432, %add3A_245 : i32
          %mul3A_434 = arith.constant 128 : i32
          %mul3A_435 = arith.muli %mul3A_434, %add3A_433 : i32
          %mul3A_436 = arith.constant 256 : i32
          %mul3A_437 = arith.muli %mul3A_436, %add3A_247 : i32
          %dma_start3A_438 = arith.constant 0 : i32
          %dma_start3A_439 = arith.constant 0 : i32
          %dma_start3A_440 = tpu.memref_slice %run_scoped3A[%rem3A_431, %dma_start3A_438, %dma_start3A_439] : memref<2x128x256xf32, #tpu.memory_space<vmem>> -> memref<1x128x256xf32, #tpu.memory_space<vmem>>
          %dma_start3A_441 = tpu.memref_squeeze %dma_start3A_440 : memref<1x128x256xf32, #tpu.memory_space<vmem>> -> memref<128x256xf32, #tpu.memory_space<vmem>>
          %dma_start3A_442 = tpu.memref_slice %arg2[%mul3A_435, %mul3A_437] : memref<8192x1024xf32, #tpu.memory_space<hbm>> -> memref<128x256xf32, #tpu.memory_space<hbm>>
          %dma_start3A_443 = tpu.memref_slice %run_scoped3A_7[%rem3A_431] : memref<2x!tpu.dma_semaphore, #tpu.memory_space<semaphore_mem>> -> memref<1x!tpu.dma_semaphore, #tpu.memory_space<semaphore_mem>>
          %dma_start3A_444 = tpu.memref_squeeze %dma_start3A_443 : memref<1x!tpu.dma_semaphore, #tpu.memory_space<semaphore_mem>> -> memref<!tpu.dma_semaphore, #tpu.memory_space<semaphore_mem>>
          %dma_start3A_445 = arith.constant 0 : i32
          %dma_start3A_446 = arith.constant 0 : i32
          %dma_start3A_447 = tpu.memref_slice %run_scoped3A[%rem3A_431, %dma_start3A_445, %dma_start3A_446] : memref<2x128x256xf32, #tpu.memory_space<vmem>> -> memref<1x128x256xf32, #tpu.memory_space<vmem>>
          %dma_start3A_448 = tpu.memref_squeeze %dma_start3A_447 : memref<1x128x256xf32, #tpu.memory_space<vmem>> -> memref<128x256xf32, #tpu.memory_space<vmem>>
          %dma_start3A_449 = tpu.memref_slice %arg2[%mul3A_435, %mul3A_437] : memref<8192x1024xf32, #tpu.memory_space<hbm>> -> memref<128x256xf32, #tpu.memory_space<hbm>>
          tpu.enqueue_dma source(%dma_start3A_449 : memref<128x256xf32, #tpu.memory_space<hbm>>) target(%dma_start3A_448 : memref<128x256xf32, #tpu.memory_space<vmem>>) target_semaphore(%dma_start3A_444 : memref<!tpu.dma_semaphore, #tpu.memory_space<semaphore_mem>>)
          "tpu.trace_stop"() : () -> ()
        } else {
        }
        %and3A_276 = arith.constant true
        %and3A_277 = arith.andi %and3A, %and3A_276 : i1
        %add3A_278 = arith.constant 1 : i32
        %add3A_279 = arith.addi %scan3A_199, %add3A_278 : i32
        %select_n3A_280 = arith.select %and3A_277, %add3A_279, %scan3A_199 : i32
        %ne3A_281 = arith.cmpi ne, %add3A_211, %add3A_247 : i32
        %ne3A_282 = arith.cmpi ne, %add3A_209, %add3A_245 : i32
        %or3A_283 = arith.constant false
        %or3A_284 = arith.ori %or3A_283, %ne3A_281 : i1
        %or3A_285 = arith.ori %or3A_284, %ne3A_282 : i1
        %or3A_286 = arith.constant false
        %or3A_287 = arith.ori %or3A_285, %or3A_286 : i1
        %ge3A_288 = arith.constant 7 : i32
        %ge3A_289 = arith.cmpi sge, %scan3A_198, %ge3A_288 : i32
        %not3A_290 = arith.constant true
        %not3A_291 = arith.xori %ge3A_289, %not3A_290 : i1
        %and3A_292 = arith.andi %or3A_287, %not3A_291 : i1
        %convert_element_type3A_293 = arith.extui %and3A_292 : i1 to i32
        %cond3A_294 = arith.constant 0 : i32
        %cond3A_295 = arith.cmpi ne, %convert_element_type3A_293, %cond3A_294 : i32
        scf.if %cond3A_295 {
          "tpu.trace_start"() <{level = 10 : i32, message = "ep_copy_in"}> : () -> ()
          %rem3A_430 = arith.constant 2 : i32
          %rem3A_431 = arith.remui %scan3A_201, %rem3A_430 : i32
          %mul3A_432 = arith.constant 1 : i32
          %mul3A_433 = arith.muli %mul3A_432, %add3A_247 : i32
          %mul3A_434 = arith.constant 1 : i32
          %mul3A_435 = arith.muli %mul3A_434, %add3A_245 : i32
          %dma_start3A_436 = arith.constant 0 : i32
          %dma_start3A_437 = arith.constant 0 : i32
          %dma_start3A_438 = arith.constant 0 : i32
          %dma_start3A_439 = tpu.memref_slice %run_scoped3A_8[%rem3A_431, %dma_start3A_436, %dma_start3A_437, %dma_start3A_438] : memref<2x1x1x128xi32, #tpu.memory_space<vmem>> -> memref<1x1x1x128xi32, #tpu.memory_space<vmem>>
          %dma_start3A_440 = tpu.memref_squeeze %dma_start3A_439 : memref<1x1x1x128xi32, #tpu.memory_space<vmem>> -> memref<1x1x128xi32, #tpu.memory_space<vmem>>
          %dma_start3A_441 = arith.constant 0 : i32
          %dma_start3A_442 = tpu.memref_slice %arg3[%mul3A_433, %mul3A_435, %dma_start3A_441] : memref<4x64x128xi32, #tpu.memory_space<hbm>> -> memref<1x1x128xi32, #tpu.memory_space<hbm>>
          %dma_start3A_443 = tpu.memref_slice %run_scoped3A_9[%rem3A_431] : memref<2x!tpu.dma_semaphore, #tpu.memory_space<semaphore_mem>> -> memref<1x!tpu.dma_semaphore, #tpu.memory_space<semaphore_mem>>
          %dma_start3A_444 = tpu.memref_squeeze %dma_start3A_443 : memref<1x!tpu.dma_semaphore, #tpu.memory_space<semaphore_mem>> -> memref<!tpu.dma_semaphore, #tpu.memory_space<semaphore_mem>>
          %dma_start3A_445 = arith.constant 0 : i32
          %dma_start3A_446 = arith.constant 0 : i32
          %dma_start3A_447 = arith.constant 0 : i32
          %dma_start3A_448 = tpu.memref_slice %run_scoped3A_8[%rem3A_431, %dma_start3A_445, %dma_start3A_446, %dma_start3A_447] : memref<2x1x1x128xi32, #tpu.memory_space<vmem>> -> memref<1x1x1x128xi32, #tpu.memory_space<vmem>>
          %dma_start3A_449 = tpu.memref_squeeze %dma_start3A_448 : memref<1x1x1x128xi32, #tpu.memory_space<vmem>> -> memref<1x1x128xi32, #tpu.memory_space<vmem>>
          %dma_start3A_450 = arith.constant 0 : i32
          %dma_start3A_451 = tpu.memref_slice %arg3[%mul3A_433, %mul3A_435, %dma_start3A_450] : memref<4x64x128xi32, #tpu.memory_space<hbm>> -> memref<1x1x128xi32, #tpu.memory_space<hbm>>
          tpu.enqueue_dma source(%dma_start3A_451 : memref<1x1x128xi32, #tpu.memory_space<hbm>>) target(%dma_start3A_449 : memref<1x1x128xi32, #tpu.memory_space<vmem>>) target_semaphore(%dma_start3A_444 : memref<!tpu.dma_semaphore, #tpu.memory_space<semaphore_mem>>)
          "tpu.trace_stop"() : () -> ()
        } else {
        }
        %and3A_296 = arith.constant true
        %and3A_297 = arith.andi %and3A_292, %and3A_296 : i1
        %add3A_298 = arith.constant 1 : i32
        %add3A_299 = arith.addi %scan3A_201, %add3A_298 : i32
        %select_n3A_300 = arith.select %and3A_297, %add3A_299, %scan3A_201 : i32
        %add3A_301 = arith.constant 0 : i32
        %add3A_302 = arith.addi %add3A_301, %add3A_209 : i32
        %add3A_303 = arith.constant 0 : i32
        %add3A_304 = arith.addi %add3A_303, %add3A_227 : i32
        %ne3A_305 = arith.cmpi ne, %add3A_302, %add3A_304 : i32
        %ne3A_306 = arith.cmpi ne, %add3A_211, %add3A_229 : i32
        %or3A_307 = arith.constant false
        %or3A_308 = arith.ori %or3A_307, %ne3A_305 : i1
        %or3A_309 = arith.ori %or3A_308, %ne3A_306 : i1
        %or3A_310 = arith.ori %or3A_309, %eq3A_206 : i1
        %convert_element_type3A_311 = arith.extui %or3A_310 : i1 to i32
        %cond3A_312 = arith.constant 0 : i32
        %cond3A_313 = arith.cmpi ne, %convert_element_type3A_311, %cond3A_312 : i32
        scf.if %cond3A_313 {
          "tpu.trace_start"() <{level = 10 : i32, message = "ep_wait_in"}> : () -> ()
          %add3A_430 = arith.constant 0 : i32
          %add3A_431 = arith.addi %add3A_430, %add3A_209 : i32
          %mul3A_432 = arith.constant 128 : i32
          %mul3A_433 = arith.muli %mul3A_432, %add3A_431 : i32
          %mul3A_434 = arith.constant 256 : i32
          %mul3A_435 = arith.muli %mul3A_434, %add3A_211 : i32
          %rem3A_436 = arith.constant 2 : i32
          %rem3A_437 = arith.remui %scan3A_200, %rem3A_436 : i32
          %dma_wait3A = arith.constant 0 : i32
          %dma_wait3A_438 = arith.constant 0 : i32
          %dma_wait3A_439 = tpu.memref_slice %run_scoped3A[%rem3A_437, %dma_wait3A, %dma_wait3A_438] : memref<2x128x256xf32, #tpu.memory_space<vmem>> -> memref<1x128x256xf32, #tpu.memory_space<vmem>>
          %dma_wait3A_440 = tpu.memref_squeeze %dma_wait3A_439 : memref<1x128x256xf32, #tpu.memory_space<vmem>> -> memref<128x256xf32, #tpu.memory_space<vmem>>
          %dma_wait3A_441 = tpu.memref_slice %arg2[%mul3A_433, %mul3A_435] : memref<8192x1024xf32, #tpu.memory_space<hbm>> -> memref<128x256xf32, #tpu.memory_space<hbm>>
          %dma_wait3A_442 = tpu.memref_slice %run_scoped3A_7[%rem3A_437] : memref<2x!tpu.dma_semaphore, #tpu.memory_space<semaphore_mem>> -> memref<1x!tpu.dma_semaphore, #tpu.memory_space<semaphore_mem>>
          %dma_wait3A_443 = tpu.memref_squeeze %dma_wait3A_442 : memref<1x!tpu.dma_semaphore, #tpu.memory_space<semaphore_mem>> -> memref<!tpu.dma_semaphore, #tpu.memory_space<semaphore_mem>>
          %dma_wait3A_444 = arith.constant 0 : i32
          %dma_wait3A_445 = arith.constant 0 : i32
          %dma_wait3A_446 = tpu.memref_slice %run_scoped3A[%rem3A_437, %dma_wait3A_444, %dma_wait3A_445] : memref<2x128x256xf32, #tpu.memory_space<vmem>> -> memref<1x128x256xf32, #tpu.memory_space<vmem>>
          %dma_wait3A_447 = tpu.memref_squeeze %dma_wait3A_446 : memref<1x128x256xf32, #tpu.memory_space<vmem>> -> memref<128x256xf32, #tpu.memory_space<vmem>>
          %dma_wait3A_448 = tpu.memref_slice %arg2[%mul3A_433, %mul3A_435] : memref<8192x1024xf32, #tpu.memory_space<hbm>> -> memref<128x256xf32, #tpu.memory_space<hbm>>
          tpu.wait_dma2 semaphore(%dma_wait3A_443 : memref<!tpu.dma_semaphore, #tpu.memory_space<semaphore_mem>>) src(%dma_wait3A_448 : memref<128x256xf32, #tpu.memory_space<hbm>>) dst(%dma_wait3A_447 : memref<128x256xf32, #tpu.memory_space<vmem>>)
          "tpu.trace_stop"() : () -> ()
        } else {
        }
        %ne3A_314 = arith.cmpi ne, %add3A_211, %add3A_229 : i32
        %ne3A_315 = arith.cmpi ne, %add3A_209, %add3A_227 : i32
        %or3A_316 = arith.constant false
        %or3A_317 = arith.ori %or3A_316, %ne3A_314 : i1
        %or3A_318 = arith.ori %or3A_317, %ne3A_315 : i1
        %or3A_319 = arith.constant false
        %or3A_320 = arith.ori %or3A_318, %or3A_319 : i1
        %or3A_321 = arith.ori %or3A_320, %eq3A_206 : i1
        %convert_element_type3A_322 = arith.extui %or3A_321 : i1 to i32
        %cond3A_323 = arith.constant 0 : i32
        %cond3A_324 = arith.cmpi ne, %convert_element_type3A_322, %cond3A_323 : i32
        scf.if %cond3A_324 {
          "tpu.trace_start"() <{level = 10 : i32, message = "ep_wait_in"}> : () -> ()
          %mul3A_430 = arith.constant 1 : i32
          %mul3A_431 = arith.muli %mul3A_430, %add3A_211 : i32
          %mul3A_432 = arith.constant 1 : i32
          %mul3A_433 = arith.muli %mul3A_432, %add3A_209 : i32
          %rem3A_434 = arith.constant 2 : i32
          %rem3A_435 = arith.remui %scan3A_202, %rem3A_434 : i32
          %dma_wait3A = arith.constant 0 : i32
          %dma_wait3A_436 = arith.constant 0 : i32
          %dma_wait3A_437 = arith.constant 0 : i32
          %dma_wait3A_438 = tpu.memref_slice %run_scoped3A_8[%rem3A_435, %dma_wait3A, %dma_wait3A_436, %dma_wait3A_437] : memref<2x1x1x128xi32, #tpu.memory_space<vmem>> -> memref<1x1x1x128xi32, #tpu.memory_space<vmem>>
          %dma_wait3A_439 = tpu.memref_squeeze %dma_wait3A_438 : memref<1x1x1x128xi32, #tpu.memory_space<vmem>> -> memref<1x1x128xi32, #tpu.memory_space<vmem>>
          %dma_wait3A_440 = arith.constant 0 : i32
          %dma_wait3A_441 = tpu.memref_slice %arg3[%mul3A_431, %mul3A_433, %dma_wait3A_440] : memref<4x64x128xi32, #tpu.memory_space<hbm>> -> memref<1x1x128xi32, #tpu.memory_space<hbm>>
          %dma_wait3A_442 = tpu.memref_slice %run_scoped3A_9[%rem3A_435] : memref<2x!tpu.dma_semaphore, #tpu.memory_space<semaphore_mem>> -> memref<1x!tpu.dma_semaphore, #tpu.memory_space<semaphore_mem>>
          %dma_wait3A_443 = tpu.memref_squeeze %dma_wait3A_442 : memref<1x!tpu.dma_semaphore, #tpu.memory_space<semaphore_mem>> -> memref<!tpu.dma_semaphore, #tpu.memory_space<semaphore_mem>>
          %dma_wait3A_444 = arith.constant 0 : i32
          %dma_wait3A_445 = arith.constant 0 : i32
          %dma_wait3A_446 = arith.constant 0 : i32
          %dma_wait3A_447 = tpu.memref_slice %run_scoped3A_8[%rem3A_435, %dma_wait3A_444, %dma_wait3A_445, %dma_wait3A_446] : memref<2x1x1x128xi32, #tpu.memory_space<vmem>> -> memref<1x1x1x128xi32, #tpu.memory_space<vmem>>
          %dma_wait3A_448 = tpu.memref_squeeze %dma_wait3A_447 : memref<1x1x1x128xi32, #tpu.memory_space<vmem>> -> memref<1x1x128xi32, #tpu.memory_space<vmem>>
          %dma_wait3A_449 = arith.constant 0 : i32
          %dma_wait3A_450 = tpu.memref_slice %arg3[%mul3A_431, %mul3A_433, %dma_wait3A_449] : memref<4x64x128xi32, #tpu.memory_space<hbm>> -> memref<1x1x128xi32, #tpu.memory_space<hbm>>
          tpu.wait_dma2 semaphore(%dma_wait3A_443 : memref<!tpu.dma_semaphore, #tpu.memory_space<semaphore_mem>>) src(%dma_wait3A_450 : memref<1x1x128xi32, #tpu.memory_space<hbm>>) dst(%dma_wait3A_448 : memref<1x1x128xi32, #tpu.memory_space<vmem>>)
          "tpu.trace_stop"() : () -> ()
        } else {
        }
        %rem3A_325 = arith.constant 2 : i32
        %rem3A_326 = arith.remui %scan3A_200, %rem3A_325 : i32
        %rem3A_327 = arith.constant 2 : i32
        %rem3A_328 = arith.remui %scan3A_202, %rem3A_327 : i32
        %run_scoped3A_329 = arith.constant 0 : i32
        %run_scoped3A_330 = arith.constant 0 : i32
        "tpu.trace_start"() <{level = 10 : i32, message = "ep_run_kernel"}> : () -> ()
        "tpu.region"() ({
          %run_scoped3A_430 = tpu.sem_alloc : memref<!tpu.dma_semaphore, #tpu.memory_space<semaphore_mem>>
          %dma_start3A_431 = arith.constant 0 : i32
          %dma_start3A_432 = arith.constant 0 : i32
          %dma_start3A_433 = tpu.memref_slice %run_scoped3A[%rem3A_326, %dma_start3A_431, %dma_start3A_432] : memref<2x128x256xf32, #tpu.memory_space<vmem>> -> memref<1x128x256xf32, #tpu.memory_space<vmem>>
          %dma_start3A_434 = tpu.memref_squeeze %dma_start3A_433 : memref<1x128x256xf32, #tpu.memory_space<vmem>> -> memref<128x256xf32, #tpu.memory_space<vmem>>
          %dma_start3A_435 = arith.constant 0 : i32
          %dma_start3A_436 = arith.constant 0 : i32
          %dma_start3A_437 = arith.constant 0 : i32
          %dma_start3A_438 = tpu.memref_slice %run_scoped3A_8[%rem3A_328, %dma_start3A_435, %dma_start3A_436, %dma_start3A_437] : memref<2x1x1x128xi32, #tpu.memory_space<vmem>> -> memref<1x1x1x128xi32, #tpu.memory_space<vmem>>
          %dma_start3A_439 = tpu.memref_squeeze %dma_start3A_438 : memref<1x1x1x128xi32, #tpu.memory_space<vmem>> -> memref<1x1x128xi32, #tpu.memory_space<vmem>>
          %dma_start3A_440 = arith.constant 0 : i32
          %dma_start3A_441 = tpu.memref_slice %dma_start3A_439[%run_scoped3A_329, %run_scoped3A_330, %dma_start3A_440] : memref<1x1x128xi32, #tpu.memory_space<vmem>> -> memref<1x1x128xi32, #tpu.memory_space<vmem>>
          %dma_start3A_442 = tpu.memref_squeeze %dma_start3A_441 : memref<1x1x128xi32, #tpu.memory_space<vmem>> -> memref<128xi32, #tpu.memory_space<vmem>>
          %dma_start3A_443 = arith.constant 0 : i32
          %dma_start3A_444 = arith.constant 0 : i32
          %dma_start3A_445 = tpu.memref_slice %arg4[%dma_start3A_443, %dma_start3A_444] : memref<34816x256xf32, #tpu.memory_space<hbm>> -> memref<34816x256xf32, #tpu.memory_space<hbm>>
          tpu.enqueue_indirect_dma source(%dma_start3A_434 : memref<128x256xf32, #tpu.memory_space<vmem>>) target(%dma_start3A_445 : memref<34816x256xf32, #tpu.memory_space<hbm>>) offsets(%dma_start3A_442 : memref<128xi32, #tpu.memory_space<vmem>>) semaphore(%run_scoped3A_430 : memref<!tpu.dma_semaphore, #tpu.memory_space<semaphore_mem>>)
          %dma_wait3A = arith.constant 0 : i32
          %dma_wait3A_446 = arith.constant 0 : i32
          %dma_wait3A_447 = tpu.memref_slice %run_scoped3A[%rem3A_326, %dma_wait3A, %dma_wait3A_446] : memref<2x128x256xf32, #tpu.memory_space<vmem>> -> memref<1x128x256xf32, #tpu.memory_space<vmem>>
          %dma_wait3A_448 = tpu.memref_squeeze %dma_wait3A_447 : memref<1x128x256xf32, #tpu.memory_space<vmem>> -> memref<128x256xf32, #tpu.memory_space<vmem>>
          %dma_wait3A_449 = arith.constant 0 : i32
          %dma_wait3A_450 = arith.constant 0 : i32
          %dma_wait3A_451 = arith.constant 0 : i32
          %dma_wait3A_452 = tpu.memref_slice %run_scoped3A_8[%rem3A_328, %dma_wait3A_449, %dma_wait3A_450, %dma_wait3A_451] : memref<2x1x1x128xi32, #tpu.memory_space<vmem>> -> memref<1x1x1x128xi32, #tpu.memory_space<vmem>>
          %dma_wait3A_453 = tpu.memref_squeeze %dma_wait3A_452 : memref<1x1x1x128xi32, #tpu.memory_space<vmem>> -> memref<1x1x128xi32, #tpu.memory_space<vmem>>
          %dma_wait3A_454 = arith.constant 0 : i32
          %dma_wait3A_455 = tpu.memref_slice %dma_wait3A_453[%run_scoped3A_329, %run_scoped3A_330, %dma_wait3A_454] : memref<1x1x128xi32, #tpu.memory_space<vmem>> -> memref<1x1x128xi32, #tpu.memory_space<vmem>>
          %dma_wait3A_456 = tpu.memref_squeeze %dma_wait3A_455 : memref<1x1x128xi32, #tpu.memory_space<vmem>> -> memref<128xi32, #tpu.memory_space<vmem>>
          %dma_wait3A_457 = arith.constant 0 : i32
          %dma_wait3A_458 = arith.constant 0 : i32
          %dma_wait3A_459 = tpu.memref_slice %arg4[%dma_wait3A_457, %dma_wait3A_458] : memref<34816x256xf32, #tpu.memory_space<hbm>> -> memref<34816x256xf32, #tpu.memory_space<hbm>>
          tpu.wait_indirect_dma semaphore(%run_scoped3A_430 : memref<!tpu.dma_semaphore, #tpu.memory_space<semaphore_mem>>) src(%dma_wait3A_448 : memref<128x256xf32, #tpu.memory_space<vmem>>) dst(%dma_wait3A_459 : memref<34816x256xf32, #tpu.memory_space<hbm>>)
          tpu.yield
        }) : () -> ()
        "tpu.trace_stop"() : () -> ()
        %add3A_331 = arith.constant 0 : i32
        %add3A_332 = arith.addi %add3A_331, %add3A_209 : i32
        %add3A_333 = arith.constant 0 : i32
        %add3A_334 = arith.addi %add3A_333, %add3A_245 : i32
        %ne3A_335 = arith.cmpi ne, %add3A_332, %add3A_334 : i32
        %ne3A_336 = arith.cmpi ne, %add3A_211, %add3A_247 : i32
        %or3A_337 = arith.constant false
        %or3A_338 = arith.ori %or3A_337, %ne3A_335 : i1
        %or3A_339 = arith.ori %or3A_338, %ne3A_336 : i1
        %or3A_340 = arith.ori %or3A_339, %eq3A_208 : i1
        %convert_element_type3A_341 = arith.extui %or3A_340 : i1 to i32
        %cond3A_342 = arith.constant 0 : i32
        %cond3A_343 = arith.cmpi ne, %convert_element_type3A_341, %cond3A_342 : i32
        scf.if %cond3A_343 {
        } else {
        }
        %and3A_344 = arith.constant false
        %and3A_345 = arith.andi %or3A_340, %and3A_344 : i1
        %ne3A_346 = arith.cmpi ne, %add3A_211, %add3A_247 : i32
        %ne3A_347 = arith.cmpi ne, %add3A_209, %add3A_245 : i32
        %or3A_348 = arith.constant false
        %or3A_349 = arith.ori %or3A_348, %ne3A_346 : i1
        %or3A_350 = arith.ori %or3A_349, %ne3A_347 : i1
        %or3A_351 = arith.constant false
        %or3A_352 = arith.ori %or3A_350, %or3A_351 : i1
        %or3A_353 = arith.ori %or3A_352, %eq3A_208 : i1
        %convert_element_type3A_354 = arith.extui %or3A_353 : i1 to i32
        %cond3A_355 = arith.constant 0 : i32
        %cond3A_356 = arith.cmpi ne, %convert_element_type3A_354, %cond3A_355 : i32
        scf.if %cond3A_356 {
        } else {
        }
        %and3A_357 = arith.constant false
        %and3A_358 = arith.andi %or3A_353, %and3A_357 : i1
        %add3A_359 = arith.constant 0 : i32
        %add3A_360 = arith.addi %add3A_359, %add3A_209 : i32
        %add3A_361 = arith.constant 0 : i32
        %add3A_362 = arith.addi %add3A_361, %add3A_227 : i32
        %ne3A_363 = arith.cmpi ne, %add3A_360, %add3A_362 : i32
        %ne3A_364 = arith.cmpi ne, %add3A_211, %add3A_229 : i32
        %or3A_365 = arith.constant false
        %or3A_366 = arith.ori %or3A_365, %ne3A_363 : i1
        %or3A_367 = arith.ori %or3A_366, %ne3A_364 : i1
        %not3A_368 = arith.constant true
        %not3A_369 = arith.xori %eq3A_206, %not3A_368 : i1
        %and3A_370 = arith.andi %or3A_367, %not3A_369 : i1
        %convert_element_type3A_371 = arith.extui %and3A_370 : i1 to i32
        %cond3A_372 = arith.constant 0 : i32
        %cond3A_373 = arith.cmpi ne, %convert_element_type3A_371, %cond3A_372 : i32
        scf.if %cond3A_373 {
        } else {
        }
        %and3A_374 = arith.constant false
        %and3A_375 = arith.andi %and3A_370, %and3A_374 : i1
        %ne3A_376 = arith.cmpi ne, %add3A_211, %add3A_229 : i32
        %ne3A_377 = arith.cmpi ne, %add3A_209, %add3A_227 : i32
        %or3A_378 = arith.constant false
        %or3A_379 = arith.ori %or3A_378, %ne3A_376 : i1
        %or3A_380 = arith.ori %or3A_379, %ne3A_377 : i1
        %or3A_381 = arith.constant false
        %or3A_382 = arith.ori %or3A_380, %or3A_381 : i1
        %not3A_383 = arith.constant true
        %not3A_384 = arith.xori %eq3A_206, %not3A_383 : i1
        %and3A_385 = arith.andi %or3A_382, %not3A_384 : i1
        %convert_element_type3A_386 = arith.extui %and3A_385 : i1 to i32
        %cond3A_387 = arith.constant 0 : i32
        %cond3A_388 = arith.cmpi ne, %convert_element_type3A_386, %cond3A_387 : i32
        scf.if %cond3A_388 {
        } else {
        }
        %and3A_389 = arith.constant false
        %and3A_390 = arith.andi %and3A_385, %and3A_389 : i1
        %add3A_391 = arith.constant 0 : i32
        %add3A_392 = arith.addi %add3A_391, %add3A_209 : i32
        %add3A_393 = arith.constant 0 : i32
        %add3A_394 = arith.addi %add3A_393, %add3A_245 : i32
        %ne3A_395 = arith.cmpi ne, %add3A_392, %add3A_394 : i32
        %ne3A_396 = arith.cmpi ne, %add3A_211, %add3A_247 : i32
        %or3A_397 = arith.constant false
        %or3A_398 = arith.ori %or3A_397, %ne3A_395 : i1
        %or3A_399 = arith.ori %or3A_398, %ne3A_396 : i1
        %or3A_400 = arith.ori %or3A_399, %eq3A_208 : i1
        %add3A_401 = arith.constant 1 : i32
        %add3A_402 = arith.addi %scan3A_200, %add3A_401 : i32
        %select_n3A_403 = arith.select %or3A_400, %add3A_402, %scan3A_200 : i32
        %ne3A_404 = arith.cmpi ne, %add3A_211, %add3A_247 : i32
        %ne3A_405 = arith.cmpi ne, %add3A_209, %add3A_245 : i32
        %or3A_406 = arith.constant false
        %or3A_407 = arith.ori %or3A_406, %ne3A_404 : i1
        %or3A_408 = arith.ori %or3A_407, %ne3A_405 : i1
        %or3A_409 = arith.constant false
        %or3A_410 = arith.ori %or3A_408, %or3A_409 : i1
        %or3A_411 = arith.ori %or3A_410, %eq3A_208 : i1
        %add3A_412 = arith.constant 1 : i32
        %add3A_413 = arith.addi %scan3A_202, %add3A_412 : i32
        %select_n3A_414 = arith.select %or3A_411, %add3A_413, %scan3A_202 : i32
        %add3A_415 = arith.constant 1 : i32
        %add3A_416 = arith.addi %scan3A_204, %add3A_415 : i32
        %select_n3A_417 = arith.constant true
        %select_n3A_418 = arith.select %select_n3A_417, %add3A_416, %scan3A_204 : i32
        %eq3A_419 = arith.constant 4 : i32
        %eq3A_420 = arith.cmpi eq, %select_n3A_418, %eq3A_419 : i32
        %select_n3A_421 = arith.constant 0 : i32
        %select_n3A_422 = arith.select %eq3A_420, %select_n3A_421, %select_n3A_418 : i32
        %add3A_423 = arith.constant 1 : i32
        %add3A_424 = arith.addi %scan3A_203, %add3A_423 : i32
        %select_n3A_425 = arith.select %eq3A_420, %add3A_424, %scan3A_203 : i32
        %eq3A_426 = arith.constant 2 : i32
        %eq3A_427 = arith.cmpi eq, %select_n3A_425, %eq3A_426 : i32
        %select_n3A_428 = arith.constant 0 : i32
        %select_n3A_429 = arith.select %eq3A_427, %select_n3A_428, %select_n3A_425 : i32
        scf.yield %select_n3A_280, %select_n3A_403, %select_n3A_300, %select_n3A_414, %select_n3A_429, %select_n3A_422 : i32, i32, i32, i32, i32, i32
      }
      %scan3A_126 = arith.constant 8 : i32
      %sub3A = arith.constant 1 : i32
      %sub3A_127 = arith.subi %scan3A_125#5, %sub3A : i32
      %select_n3A_128 = arith.constant true
      %select_n3A_129 = arith.select %select_n3A_128, %sub3A_127, %scan3A_125#5 : i32
      %eq3A_130 = arith.constant -1 : i32
      %eq3A_131 = arith.cmpi eq, %select_n3A_129, %eq3A_130 : i32
      %select_n3A_132 = arith.constant 3 : i32
      %select_n3A_133 = arith.select %eq3A_131, %select_n3A_132, %select_n3A_129 : i32
      %sub3A_134 = arith.constant 1 : i32
      %sub3A_135 = arith.subi %scan3A_125#4, %sub3A_134 : i32
      %select_n3A_136 = arith.select %eq3A_131, %sub3A_135, %scan3A_125#4 : i32
      %eq3A_137 = arith.constant -1 : i32
      %eq3A_138 = arith.cmpi eq, %select_n3A_136, %eq3A_137 : i32
      %select_n3A_139 = arith.constant 1 : i32
      %select_n3A_140 = arith.select %eq3A_138, %select_n3A_139, %select_n3A_136 : i32
      %add3A_141 = arith.addi %select_n3A_140, %mul3A_6 : i32
      %add3A_142 = arith.constant 0 : i32
      %add3A_143 = arith.addi %select_n3A_133, %add3A_142 : i32
      %sub3A_144 = arith.constant 1 : i32
      %sub3A_145 = arith.subi %select_n3A_133, %sub3A_144 : i32
      %select_n3A_146 = arith.constant true
      %select_n3A_147 = arith.select %select_n3A_146, %sub3A_145, %select_n3A_133 : i32
      %eq3A_148 = arith.constant -1 : i32
      %eq3A_149 = arith.cmpi eq, %select_n3A_147, %eq3A_148 : i32
      %select_n3A_150 = arith.constant 3 : i32
      %select_n3A_151 = arith.select %eq3A_149, %select_n3A_150, %select_n3A_147 : i32
      %sub3A_152 = arith.constant 1 : i32
      %sub3A_153 = arith.subi %select_n3A_140, %sub3A_152 : i32
      %select_n3A_154 = arith.select %eq3A_149, %sub3A_153, %select_n3A_140 : i32
      %eq3A_155 = arith.constant -1 : i32
      %eq3A_156 = arith.cmpi eq, %select_n3A_154, %eq3A_155 : i32
      %select_n3A_157 = arith.constant 1 : i32
      %select_n3A_158 = arith.select %eq3A_156, %select_n3A_157, %select_n3A_154 : i32
      %add3A_159 = arith.addi %select_n3A_158, %mul3A_6 : i32
      %add3A_160 = arith.constant 0 : i32
      %add3A_161 = arith.addi %select_n3A_151, %add3A_160 : i32
      %add3A_162 = arith.constant 1 : i32
      %add3A_163 = arith.addi %select_n3A_133, %add3A_162 : i32
      %select_n3A_164 = arith.constant true
      %select_n3A_165 = arith.select %select_n3A_164, %add3A_163, %select_n3A_133 : i32
      %eq3A_166 = arith.constant 4 : i32
      %eq3A_167 = arith.cmpi eq, %select_n3A_165, %eq3A_166 : i32
      %select_n3A_168 = arith.constant 0 : i32
      %select_n3A_169 = arith.select %eq3A_167, %select_n3A_168, %select_n3A_165 : i32
      %add3A_170 = arith.constant 1 : i32
      %add3A_171 = arith.addi %select_n3A_140, %add3A_170 : i32
      %select_n3A_172 = arith.select %eq3A_167, %add3A_171, %select_n3A_140 : i32
      %eq3A_173 = arith.constant 2 : i32
      %eq3A_174 = arith.cmpi eq, %select_n3A_172, %eq3A_173 : i32
      %select_n3A_175 = arith.constant 0 : i32
      %select_n3A_176 = arith.select %eq3A_174, %select_n3A_175, %select_n3A_172 : i32
      %add3A_177 = arith.addi %select_n3A_176, %mul3A_6 : i32
      %add3A_178 = arith.constant 0 : i32
      %add3A_179 = arith.addi %select_n3A_169, %add3A_178 : i32
      %add3A_180 = arith.constant 1 : i32
      %add3A_181 = arith.addi %select_n3A_169, %add3A_180 : i32
      %select_n3A_182 = arith.constant true
      %select_n3A_183 = arith.select %select_n3A_182, %add3A_181, %select_n3A_169 : i32
      %eq3A_184 = arith.constant 4 : i32
      %eq3A_185 = arith.cmpi eq, %select_n3A_183, %eq3A_184 : i32
      %select_n3A_186 = arith.constant 0 : i32
      %select_n3A_187 = arith.select %eq3A_185, %select_n3A_186, %select_n3A_183 : i32
      %add3A_188 = arith.constant 1 : i32
      %add3A_189 = arith.addi %select_n3A_176, %add3A_188 : i32
      %select_n3A_190 = arith.select %eq3A_185, %add3A_189, %select_n3A_176 : i32
      %eq3A_191 = arith.constant 2 : i32
      %eq3A_192 = arith.cmpi eq, %select_n3A_190, %eq3A_191 : i32
      %select_n3A_193 = arith.constant 0 : i32
      %select_n3A_194 = arith.select %eq3A_192, %select_n3A_193, %select_n3A_190 : i32
      %add3A_195 = arith.addi %select_n3A_194, %mul3A_6 : i32
      %add3A_196 = arith.constant 0 : i32
      %add3A_197 = arith.addi %select_n3A_187, %add3A_196 : i32
      tpu.yield
    }) : () -> ()
    return
  }
}

module attributes {stable_mosaic.version = 14 : i64} {
  func.func @_pos_body(%arg0: memref<64x128xi32, #tpu.memory_space<vmem>>, %arg1: memref<64x128xi32, #tpu.memory_space<vmem>>, %arg2: memref<4x64x128xi32, #tpu.memory_space<vmem>>, %arg3: memref<8x64xi32, #tpu.memory_space<vmem>>) attributes {dimension_semantics = [], scalar_prefetch = 0 : i64, scratch_operands = 0 : i64, tpu.core_type = #tpu.core_type<tc>} {
    %get3A = arith.constant 0 : index
    %get3A_0 = arith.constant 0 : index
    %get3A_1 = vector.load %arg0[%get3A, %get3A_0] : memref<64x128xi32, #tpu.memory_space<vmem>>, vector<64x128xi32>
    %eq3A = arith.constant 0 : i32
    %eq3A_2 = vector.broadcast %eq3A : i32 to vector<64x128xi32>
    %eq3A_3 = arith.cmpi eq, %get3A_1, %eq3A_2 : vector<64x128xi32>
    %convert_element_type3A = arith.extui %eq3A_3 : vector<64x128xi1> to vector<64x128xi32>
    %convert_element_type3A_4 = arith.sitofp %convert_element_type3A : vector<64x128xi32> to vector<64x128xf32>
    %iota3A = tpu.iota {dimensions = array<i32: 0>} : vector<128x128xi32>
    %iota3A_5 = tpu.iota {dimensions = array<i32: 1>} : vector<128x128xi32>
    %le3A = arith.cmpi sle, %iota3A, %iota3A_5 : vector<128x128xi32>
    %convert_element_type3A_6 = arith.extui %le3A : vector<128x128xi1> to vector<128x128xi32>
    %convert_element_type3A_7 = arith.sitofp %convert_element_type3A_6 : vector<128x128xi32> to vector<128x128xf32>
    %dot_general3A = arith.constant dense<0.000000e+00> : vector<64x128xf32>
    %dot_general3A_8 = tpu.matmul %convert_element_type3A_4, %convert_element_type3A_7, %dot_general3A {dimension_numbers = #tpu.dot_dimension_numbers<[1], [0], [0], [1], [0, 0, 1, 1], [], []>, transpose_lhs_hint = false} : vector<64x128xf32>, vector<128x128xf32>, vector<64x128xf32> -> vector<64x128xf32>
    %slice3A = vector.extract_strided_slice %dot_general3A_8 {offsets = [0, 127], sizes = [64, 1], strides = [1, 1]} : vector<64x128xf32> to vector<64x1xf32>
    %iota3A_9 = tpu.iota {dimensions = array<i32: 0>} : vector<64x64xi32>
    %iota3A_10 = tpu.iota {dimensions = array<i32: 1>} : vector<64x64xi32>
    %lt3A = arith.cmpi slt, %iota3A_10, %iota3A_9 : vector<64x64xi32>
    %convert_element_type3A_11 = arith.extui %lt3A : vector<64x64xi1> to vector<64x64xi32>
    %convert_element_type3A_12 = arith.sitofp %convert_element_type3A_11 : vector<64x64xi32> to vector<64x64xf32>
    %dot_general3A_13 = arith.constant dense<0.000000e+00> : vector<64x1xf32>
    %dot_general3A_14 = tpu.matmul %convert_element_type3A_12, %slice3A, %dot_general3A_13 {dimension_numbers = #tpu.dot_dimension_numbers<[1], [0], [0], [1], [0, 0, 1, 1], [], []>, transpose_lhs_hint = false} : vector<64x64xf32>, vector<64x1xf32>, vector<64x1xf32> -> vector<64x1xf32>
    %add3A = vector.broadcast %dot_general3A_14 : vector<64x1xf32> to vector<64x128xf32>
    %add3A_15 = arith.addf %dot_general3A_8, %add3A : vector<64x128xf32>
    %convert_element_type3A_16 = arith.fptosi %add3A_15 : vector<64x128xf32> to vector<64x128xi32>
    %slice3A_17 = vector.extract_strided_slice %convert_element_type3A_16 {offsets = [63, 127], sizes = [1, 1], strides = [1, 1]} : vector<64x128xi32> to vector<1x1xi32>
    %add3A_18 = arith.constant 511 : i32
    %add3A_19 = vector.broadcast %add3A_18 : i32 to vector<1x1xi32>
    %add3A_20 = arith.addi %slice3A_17, %add3A_19 : vector<1x1xi32>
    %and3A = arith.constant -512 : i32
    %and3A_21 = vector.broadcast %and3A : i32 to vector<1x1xi32>
    %and3A_22 = arith.andi %add3A_20, %and3A_21 : vector<1x1xi32>
    %iota3A_23 = tpu.iota {dimensions = array<i32: 0>} : vector<64x128xi32>
    %mul3A = arith.constant 128 : i32
    %mul3A_24 = vector.broadcast %mul3A : i32 to vector<64x128xi32>
    %mul3A_25 = arith.muli %iota3A_23, %mul3A_24 : vector<64x128xi32>
    %iota3A_26 = tpu.iota {dimensions = array<i32: 1>} : vector<64x128xi32>
    %add3A_27 = arith.addi %mul3A_25, %iota3A_26 : vector<64x128xi32>
    %add3A_28 = arith.constant 1 : i32
    %add3A_29 = vector.broadcast %add3A_28 : i32 to vector<64x128xi32>
    %add3A_30 = arith.addi %add3A_27, %add3A_29 : vector<64x128xi32>
    %sub3A = arith.subi %add3A_30, %convert_element_type3A_16 : vector<64x128xi32>
    %eq3A_31 = arith.constant 0 : i32
    %eq3A_32 = vector.broadcast %eq3A_31 : i32 to vector<64x128xi32>
    %eq3A_33 = arith.cmpi eq, %get3A_1, %eq3A_32 : vector<64x128xi32>
    %sub3A_34 = arith.constant 1 : i32
    %sub3A_35 = vector.broadcast %sub3A_34 : i32 to vector<64x128xi32>
    %sub3A_36 = arith.subi %convert_element_type3A_16, %sub3A_35 : vector<64x128xi32>
    %add3A_37 = vector.broadcast %and3A_22 : vector<1x1xi32> to vector<64x128xi32>
    %add3A_38 = arith.addi %add3A_37, %sub3A : vector<64x128xi32>
    %sub3A_39 = arith.constant 1 : i32
    %sub3A_40 = vector.broadcast %sub3A_39 : i32 to vector<64x128xi32>
    %sub3A_41 = arith.subi %add3A_38, %sub3A_40 : vector<64x128xi32>
    %select_n3A = arith.select %eq3A_33, %sub3A_36, %sub3A_41 : vector<64x128xi1>, vector<64x128xi32>
    %swap3A = arith.constant 0 : index
    %swap3A_42 = arith.constant 0 : index
    %swap3A_43 = vector.load %arg1[%swap3A, %swap3A_42] : memref<64x128xi32, #tpu.memory_space<vmem>>, vector<64x128xi32>
    tpu.vector_store %arg1[%swap3A, %swap3A_42], %select_n3A {strides = array<i32>} : memref<64x128xi32, #tpu.memory_space<vmem>>, vector<64x128xi32>,
    %iota3A_44 = tpu.iota {dimensions = array<i32: 0>} : vector<4x64x128xi32>
    %mul3A_45 = arith.constant 8704 : i32
    %mul3A_46 = vector.broadcast %mul3A_45 : i32 to vector<4x64x128xi32>
    %mul3A_47 = arith.muli %mul3A_46, %iota3A_44 : vector<4x64x128xi32>
    %broadcast_in_dim3A = vector.shape_cast %select_n3A : vector<64x128xi32> to vector<1x64x128xi32>
    %add3A_48 = vector.broadcast %broadcast_in_dim3A : vector<1x64x128xi32> to vector<4x64x128xi32>
    %add3A_49 = arith.addi %mul3A_47, %add3A_48 : vector<4x64x128xi32>
    %swap3A_50 = arith.constant 0 : index
    %swap3A_51 = arith.constant 0 : index
    %swap3A_52 = arith.constant 0 : index
    %swap3A_53 = vector.load %arg2[%swap3A_50, %swap3A_51, %swap3A_52] : memref<4x64x128xi32, #tpu.memory_space<vmem>>, vector<4x64x128xi32>
    tpu.vector_store %arg2[%swap3A_50, %swap3A_51, %swap3A_52], %add3A_49 {strides = array<i32>} : memref<4x64x128xi32, #tpu.memory_space<vmem>>, vector<4x64x128xi32>,
    %iota3A_54 = tpu.iota {dimensions = array<i32: 0>} : vector<8x64xi32>
    %mul3A_55 = arith.constant 64 : i32
    %mul3A_56 = vector.broadcast %mul3A_55 : i32 to vector<8x64xi32>
    %mul3A_57 = arith.muli %iota3A_54, %mul3A_56 : vector<8x64xi32>
    %iota3A_58 = tpu.iota {dimensions = array<i32: 1>} : vector<8x64xi32>
    %add3A_59 = arith.addi %mul3A_57, %iota3A_58 : vector<8x64xi32>
    %mul3A_60 = arith.constant 512 : i32
    %mul3A_61 = vector.broadcast %mul3A_60 : i32 to vector<8x64xi32>
    %mul3A_62 = arith.muli %add3A_59, %mul3A_61 : vector<8x64xi32>
    %ge3A = vector.broadcast %and3A_22 : vector<1x1xi32> to vector<8x64xi32>
    %ge3A_63 = arith.cmpi sge, %mul3A_62, %ge3A : vector<8x64xi32>
    %convert_element_type3A_64 = arith.extui %ge3A_63 : vector<8x64xi1> to vector<8x64xi32>
    %swap3A_65 = arith.constant 0 : index
    %swap3A_66 = arith.constant 0 : index
    %swap3A_67 = vector.load %arg3[%swap3A_65, %swap3A_66] : memref<8x64xi32, #tpu.memory_space<vmem>>, vector<8x64xi32>
    tpu.vector_store %arg3[%swap3A_65, %swap3A_66], %convert_element_type3A_64 {strides = array<i32>} : memref<8x64xi32, #tpu.memory_space<vmem>>, vector<8x64xi32>,
    return
  }
}

module attributes {stable_mosaic.version = 14 : i64} {
  func.func @_router_body(%arg0: i32, %arg1: memref<1024x1024xf32, #tpu.memory_space<vmem>>, %arg2: memref<1024x1024xf32, #tpu.memory_space<vmem>>, %arg3: memref<1x1024xf32, #tpu.memory_space<vmem>>, %arg4: memref<1x1024xf32, #tpu.memory_space<vmem>>, %arg5: memref<1x1024xf32, #tpu.memory_space<vmem>>, %arg6: memref<1024x2xf32, #tpu.memory_space<vmem>>, %arg7: memref<1x2xf32, #tpu.memory_space<vmem>>, %arg8: memref<8x128xi32, #tpu.memory_space<vmem>>) attributes {dimension_semantics = [#tpu.dimension_semantics<parallel>], iteration_bounds = array<i64: 8>, scalar_prefetch = 0 : i64, scratch_operands = 0 : i64, tpu.core_type = #tpu.core_type<tc>, window_params = [{transform_indices = @transform_0, window_bounds = array<i64: 1024, 1024>}, {pipeline_mode = #tpu.pipeline_mode<synchronous>, transform_indices = @transform_1, window_bounds = array<i64: 1024, 1024>}, {pipeline_mode = #tpu.pipeline_mode<synchronous>, transform_indices = @transform_2, window_bounds = array<i64: 1, 1024>}, {pipeline_mode = #tpu.pipeline_mode<synchronous>, transform_indices = @transform_3, window_bounds = array<i64: 1, 1024>}, {pipeline_mode = #tpu.pipeline_mode<synchronous>, transform_indices = @transform_4, window_bounds = array<i64: 1, 1024>}, {pipeline_mode = #tpu.pipeline_mode<synchronous>, transform_indices = @transform_5, window_bounds = array<i64: 1024, 2>}, {pipeline_mode = #tpu.pipeline_mode<synchronous>, transform_indices = @transform_6, window_bounds = array<i64: 1, 2>}, {transform_indices = @transform_7, window_bounds = array<i64: 8, 128>}]} {
    %get3A = arith.constant 0 : index
    %get3A_0 = arith.constant 0 : index
    %get3A_1 = vector.load %arg1[%get3A, %get3A_0] : memref<1024x1024xf32, #tpu.memory_space<vmem>>, vector<1024x1024xf32>
    %get3A_2 = arith.constant 0 : index
    %get3A_3 = arith.constant 0 : index
    %get3A_4 = vector.load %arg2[%get3A_2, %get3A_3] : memref<1024x1024xf32, #tpu.memory_space<vmem>>, vector<1024x1024xf32>
    %dot_general3A = arith.constant dense<0.000000e+00> : vector<1024x1024xf32>
    %dot_general3A_5 = tpu.matmul %get3A_1, %get3A_4, %dot_general3A {dimension_numbers = #tpu.dot_dimension_numbers<[1], [0], [0], [1], [0, 0, 1, 1], [], []>, transpose_lhs_hint = false} : vector<1024x1024xf32>, vector<1024x1024xf32>, vector<1024x1024xf32> -> vector<1024x1024xf32>
    %get3A_6 = arith.constant 0 : index
    %get3A_7 = arith.constant 0 : index
    %get3A_8 = vector.load %arg3[%get3A_6, %get3A_7] : memref<1x1024xf32, #tpu.memory_space<vmem>>, vector<1x1024xf32>
    %add3A = vector.broadcast %get3A_8 : vector<1x1024xf32> to vector<1024x1024xf32>
    %add3A_9 = arith.addf %dot_general3A_5, %add3A : vector<1024x1024xf32>
    %get3A_10 = arith.constant 0 : index
    %get3A_11 = arith.constant 0 : index
    %get3A_12 = vector.load %arg4[%get3A_10, %get3A_11] : memref<1x1024xf32, #tpu.memory_space<vmem>>, vector<1x1024xf32>
    %get3A_13 = arith.constant 0 : index
    %get3A_14 = arith.constant 0 : index
    %get3A_15 = vector.load %arg5[%get3A_13, %get3A_14] : memref<1x1024xf32, #tpu.memory_space<vmem>>, vector<1x1024xf32>
    %reduce_sum3A = arith.constant dense<0.000000e+00> : vector<1024xf32>
    %reduce_sum3A_16 = vector.multi_reduction <add>, %add3A_9, %reduce_sum3A [1] : vector<1024x1024xf32> to vector<1024xf32>
    %broadcast_in_dim3A = vector.shape_cast %reduce_sum3A_16 : vector<1024xf32> to vector<1024x1xf32>
    %div3A = arith.constant 1.024000e+03 : f32
    %div3A_17 = vector.broadcast %div3A : f32 to vector<1024x1xf32>
    %div3A_18 = arith.divf %broadcast_in_dim3A, %div3A_17 : vector<1024x1xf32>
    %sub3A = vector.broadcast %div3A_18 : vector<1024x1xf32> to vector<1024x1024xf32>
    %sub3A_19 = arith.subf %add3A_9, %sub3A : vector<1024x1024xf32>
    %sub3A_20 = vector.broadcast %div3A_18 : vector<1024x1xf32> to vector<1024x1024xf32>
    %sub3A_21 = arith.subf %add3A_9, %sub3A_20 : vector<1024x1024xf32>
    %mul3A = arith.mulf %sub3A_19, %sub3A_21 : vector<1024x1024xf32>
    %reduce_sum3A_22 = arith.constant dense<0.000000e+00> : vector<1024xf32>
    %reduce_sum3A_23 = vector.multi_reduction <add>, %mul3A, %reduce_sum3A_22 [1] : vector<1024x1024xf32> to vector<1024xf32>
    %broadcast_in_dim3A_24 = vector.shape_cast %reduce_sum3A_23 : vector<1024xf32> to vector<1024x1xf32>
    %div3A_25 = arith.constant 1.024000e+03 : f32
    %div3A_26 = vector.broadcast %div3A_25 : f32 to vector<1024x1xf32>
    %div3A_27 = arith.divf %broadcast_in_dim3A_24, %div3A_26 : vector<1024x1xf32>
    %sub3A_28 = vector.broadcast %div3A_18 : vector<1024x1xf32> to vector<1024x1024xf32>
    %sub3A_29 = arith.subf %add3A_9, %sub3A_28 : vector<1024x1024xf32>
    %add3A_30 = arith.constant 9.99999974E-6 : f32
    %add3A_31 = vector.broadcast %add3A_30 : f32 to vector<1024x1xf32>
    %add3A_32 = arith.addf %div3A_27, %add3A_31 : vector<1024x1xf32>
    %sqrt3A = math.sqrt %add3A_32 : vector<1024x1xf32>
    %div3A_33 = vector.broadcast %sqrt3A : vector<1024x1xf32> to vector<1024x1024xf32>
    %div3A_34 = arith.divf %sub3A_29, %div3A_33 : vector<1024x1024xf32>
    %mul3A_35 = vector.broadcast %get3A_12 : vector<1x1024xf32> to vector<1024x1024xf32>
    %mul3A_36 = arith.mulf %div3A_34, %mul3A_35 : vector<1024x1024xf32>
    %add3A_37 = vector.broadcast %get3A_15 : vector<1x1024xf32> to vector<1024x1024xf32>
    %add3A_38 = arith.addf %mul3A_36, %add3A_37 : vector<1024x1024xf32>
    %max3A = arith.constant 0.000000e+00 : f32
    %max3A_39 = vector.broadcast %max3A : f32 to vector<1024x1024xf32>
    %max3A_40 = arith.maximumf %add3A_38, %max3A_39 : vector<1024x1024xf32>
    %get3A_41 = arith.constant 0 : index
    %get3A_42 = arith.constant 0 : index
    %get3A_43 = vector.load %arg6[%get3A_41, %get3A_42] : memref<1024x2xf32, #tpu.memory_space<vmem>>, vector<1024x2xf32>
    %dot_general3A_44 = arith.constant dense<0.000000e+00> : vector<1024x2xf32>
    %dot_general3A_45 = tpu.matmul %max3A_40, %get3A_43, %dot_general3A_44 {dimension_numbers = #tpu.dot_dimension_numbers<[1], [0], [0], [1], [0, 0, 1, 1], [], []>, transpose_lhs_hint = false} : vector<1024x1024xf32>, vector<1024x2xf32>, vector<1024x2xf32> -> vector<1024x2xf32>
    %get3A_46 = arith.constant 0 : index
    %get3A_47 = arith.constant 0 : index
    %get3A_48 = vector.load %arg7[%get3A_46, %get3A_47] : memref<1x2xf32, #tpu.memory_space<vmem>>, vector<1x2xf32>
    %add3A_49 = vector.broadcast %get3A_48 : vector<1x2xf32> to vector<1024x2xf32>
    %add3A_50 = arith.addf %dot_general3A_45, %add3A_49 : vector<1024x2xf32>
    %slice3A = vector.extract_strided_slice %add3A_50 {offsets = [0, 1], sizes = [1024, 1], strides = [1, 1]} : vector<1024x2xf32> to vector<1024x1xf32>
    %slice3A_51 = vector.extract_strided_slice %add3A_50 {offsets = [0, 0], sizes = [1024, 1], strides = [1, 1]} : vector<1024x2xf32> to vector<1024x1xf32>
    %gt3A = arith.cmpf ogt, %slice3A, %slice3A_51 : vector<1024x1xf32>
    %convert_element_type3A = arith.extui %gt3A : vector<1024x1xi1> to vector<1024x1xi32>
    %reshape3A = vector.shape_cast %convert_element_type3A : vector<1024x1xi32> to vector<8x128xi32>
    %swap3A = arith.constant 0 : index
    %swap3A_52 = arith.constant 0 : index
    %swap3A_53 = vector.load %arg8[%swap3A, %swap3A_52] : memref<8x128xi32, #tpu.memory_space<vmem>>, vector<8x128xi32>
    tpu.vector_store %arg8[%swap3A, %swap3A_52], %reshape3A {strides = array<i32>} : memref<8x128xi32, #tpu.memory_space<vmem>>, vector<8x128xi32>,
    return
  }
  func.func @transform_0(%arg0: i32) -> (i32, i32) {
    %add3A = arith.constant 0 : i32
    %add3A_0 = arith.addi %add3A, %arg0 : i32
    %c0_i32 = arith.constant 0 : i32
    %c0_i32_1 = arith.constant 0 : i32
    return %add3A_0, %c0_i32 : i32, i32
  }
  func.func @transform_1(%arg0: i32) -> (i32, i32) {
    %c0_i32 = arith.constant 0 : i32
    %c0_i32_0 = arith.constant 0 : i32
    %c0_i32_1 = arith.constant 0 : i32
    return %c0_i32, %c0_i32_0 : i32, i32
  }
  func.func @transform_2(%arg0: i32) -> (i32, i32) {
    %c0_i32 = arith.constant 0 : i32
    %c0_i32_0 = arith.constant 0 : i32
    %c0_i32_1 = arith.constant 0 : i32
    return %c0_i32, %c0_i32_0 : i32, i32
  }
  func.func @transform_3(%arg0: i32) -> (i32, i32) {
    %c0_i32 = arith.constant 0 : i32
    %c0_i32_0 = arith.constant 0 : i32
    %c0_i32_1 = arith.constant 0 : i32
    return %c0_i32, %c0_i32_0 : i32, i32
  }
  func.func @transform_4(%arg0: i32) -> (i32, i32) {
    %c0_i32 = arith.constant 0 : i32
    %c0_i32_0 = arith.constant 0 : i32
    %c0_i32_1 = arith.constant 0 : i32
    return %c0_i32, %c0_i32_0 : i32, i32
  }
  func.func @transform_5(%arg0: i32) -> (i32, i32) {
    %c0_i32 = arith.constant 0 : i32
    %c0_i32_0 = arith.constant 0 : i32
    %c0_i32_1 = arith.constant 0 : i32
    return %c0_i32, %c0_i32_0 : i32, i32
  }
  func.func @transform_6(%arg0: i32) -> (i32, i32) {
    %c0_i32 = arith.constant 0 : i32
    %c0_i32_0 = arith.constant 0 : i32
    %c0_i32_1 = arith.constant 0 : i32
    return %c0_i32, %c0_i32_0 : i32, i32
  }
  func.func @transform_7(%arg0: i32) -> (i32, i32) {
    %c0_i32 = arith.constant 0 : i32
    %c0_i32_0 = arith.constant 0 : i32
    return %arg0, %c0_i32 : i32, i32
  }
}

module attributes {stable_mosaic.version = 14 : i64} {
  func.func @_expert_body(%arg0: i32, %arg1: memref<17xi32, #tpu.memory_space<smem>>, %arg2: memref<512x256xf32, #tpu.memory_space<vmem>>, %arg3: memref<512x256xf32, #tpu.memory_space<vmem>>, %arg4: memref<512x256xf32, #tpu.memory_space<vmem>>, %arg5: memref<512x256xf32, #tpu.memory_space<vmem>>, %arg6: memref<1024x1024xf32, #tpu.memory_space<vmem>>, %arg7: memref<1x1024xf32, #tpu.memory_space<vmem>>, %arg8: memref<1x1024xf32, #tpu.memory_space<vmem>>, %arg9: memref<1x1024xf32, #tpu.memory_space<vmem>>, %arg10: memref<1024x2xf32, #tpu.memory_space<vmem>>, %arg11: memref<1x2xf32, #tpu.memory_space<vmem>>, %arg12: memref<1024x1024xf32, #tpu.memory_space<vmem>>, %arg13: memref<1x1024xf32, #tpu.memory_space<vmem>>, %arg14: memref<1x1024xf32, #tpu.memory_space<vmem>>, %arg15: memref<1x1024xf32, #tpu.memory_space<vmem>>, %arg16: memref<1024x2xf32, #tpu.memory_space<vmem>>, %arg17: memref<1x2xf32, #tpu.memory_space<vmem>>, %arg18: memref<512x128xf32, #tpu.memory_space<vmem>>) attributes {dimension_semantics = [#tpu.dimension_semantics<arbitrary>], iteration_bounds = array<i64: 17>, scalar_prefetch = 1 : i64, scratch_operands = 0 : i64, tpu.core_type = #tpu.core_type<tc>, window_params = [{transform_indices = @transform_0, window_bounds = array<i64: 512, 256>}, {transform_indices = @transform_1, window_bounds = array<i64: 512, 256>}, {transform_indices = @transform_2, window_bounds = array<i64: 512, 256>}, {transform_indices = @transform_3, window_bounds = array<i64: 512, 256>}, {pipeline_mode = #tpu.pipeline_mode<synchronous>, transform_indices = @transform_4, window_bounds = array<i64: 1024, 1024>}, {pipeline_mode = #tpu.pipeline_mode<synchronous>, transform_indices = @transform_5, window_bounds = array<i64: 1, 1024>}, {pipeline_mode = #tpu.pipeline_mode<synchronous>, transform_indices = @transform_6, window_bounds = array<i64: 1, 1024>}, {pipeline_mode = #tpu.pipeline_mode<synchronous>, transform_indices = @transform_7, window_bounds = array<i64: 1, 1024>}, {pipeline_mode = #tpu.pipeline_mode<synchronous>, transform_indices = @transform_8, window_bounds = array<i64: 1024, 2>}, {pipeline_mode = #tpu.pipeline_mode<synchronous>, transform_indices = @transform_9, window_bounds = array<i64: 1, 2>}, {pipeline_mode = #tpu.pipeline_mode<synchronous>, transform_indices = @transform_10, window_bounds = array<i64: 1024, 1024>}, {pipeline_mode = #tpu.pipeline_mode<synchronous>, transform_indices = @transform_11, window_bounds = array<i64: 1, 1024>}, {pipeline_mode = #tpu.pipeline_mode<synchronous>, transform_indices = @transform_12, window_bounds = array<i64: 1, 1024>}, {pipeline_mode = #tpu.pipeline_mode<synchronous>, transform_indices = @transform_13, window_bounds = array<i64: 1, 1024>}, {pipeline_mode = #tpu.pipeline_mode<synchronous>, transform_indices = @transform_14, window_bounds = array<i64: 1024, 2>}, {pipeline_mode = #tpu.pipeline_mode<synchronous>, transform_indices = @transform_15, window_bounds = array<i64: 1, 2>}, {transform_indices = @transform_16, window_bounds = array<i64: 512, 128>}]} {
    %get3A = arith.index_cast %arg0 : i32 to index
    %get3A_0 = memref.load %arg1[%get3A] : memref<17xi32, #tpu.memory_space<smem>>
    %eq3A = arith.constant 0 : i32
    %eq3A_1 = arith.cmpi eq, %get3A_0, %eq3A : i32
    %convert_element_type3A = arith.extui %eq3A_1 : i1 to i32
    %cond3A = arith.constant 0 : i32
    %cond3A_2 = arith.cmpi ne, %convert_element_type3A, %cond3A : i32
    scf.if %cond3A_2 {
      %get3A_7 = arith.constant 0 : index
      %get3A_8 = arith.constant 0 : index
      %get3A_9 = vector.load %arg2[%get3A_7, %get3A_8] : memref<512x256xf32, #tpu.memory_space<vmem>>, vector<512x256xf32>
      %get3A_10 = arith.constant 0 : index
      %get3A_11 = arith.constant 0 : index
      %get3A_12 = vector.load %arg6[%get3A_10, %get3A_11] : memref<1024x1024xf32, #tpu.memory_space<vmem>>, vector<256x1024xf32>
      %dot_general3A = arith.constant dense<0.000000e+00> : vector<512x1024xf32>
      %dot_general3A_13 = tpu.matmul %get3A_9, %get3A_12, %dot_general3A {dimension_numbers = #tpu.dot_dimension_numbers<[1], [0], [0], [1], [0, 0, 1, 1], [], []>, transpose_lhs_hint = false} : vector<512x256xf32>, vector<256x1024xf32>, vector<512x1024xf32> -> vector<512x1024xf32>
      %get3A_14 = arith.constant 0 : index
      %get3A_15 = arith.constant 0 : index
      %get3A_16 = vector.load %arg3[%get3A_14, %get3A_15] : memref<512x256xf32, #tpu.memory_space<vmem>>, vector<512x256xf32>
      %get3A_17 = arith.constant 256 : index
      %get3A_18 = arith.constant 0 : index
      %get3A_19 = vector.load %arg6[%get3A_17, %get3A_18] : memref<1024x1024xf32, #tpu.memory_space<vmem>>, vector<256x1024xf32>
      %dot_general3A_20 = arith.constant dense<0.000000e+00> : vector<512x1024xf32>
      %dot_general3A_21 = tpu.matmul %get3A_16, %get3A_19, %dot_general3A_20 {dimension_numbers = #tpu.dot_dimension_numbers<[1], [0], [0], [1], [0, 0, 1, 1], [], []>, transpose_lhs_hint = false} : vector<512x256xf32>, vector<256x1024xf32>, vector<512x1024xf32> -> vector<512x1024xf32>
      %add3A = arith.addf %dot_general3A_13, %dot_general3A_21 : vector<512x1024xf32>
      %get3A_22 = arith.constant 0 : index
      %get3A_23 = arith.constant 0 : index
      %get3A_24 = vector.load %arg4[%get3A_22, %get3A_23] : memref<512x256xf32, #tpu.memory_space<vmem>>, vector<512x256xf32>
      %get3A_25 = arith.constant 512 : index
      %get3A_26 = arith.constant 0 : index
      %get3A_27 = vector.load %arg6[%get3A_25, %get3A_26] : memref<1024x1024xf32, #tpu.memory_space<vmem>>, vector<256x1024xf32>
      %dot_general3A_28 = arith.constant dense<0.000000e+00> : vector<512x1024xf32>
      %dot_general3A_29 = tpu.matmul %get3A_24, %get3A_27, %dot_general3A_28 {dimension_numbers = #tpu.dot_dimension_numbers<[1], [0], [0], [1], [0, 0, 1, 1], [], []>, transpose_lhs_hint = false} : vector<512x256xf32>, vector<256x1024xf32>, vector<512x1024xf32> -> vector<512x1024xf32>
      %add3A_30 = arith.addf %add3A, %dot_general3A_29 : vector<512x1024xf32>
      %get3A_31 = arith.constant 0 : index
      %get3A_32 = arith.constant 0 : index
      %get3A_33 = vector.load %arg5[%get3A_31, %get3A_32] : memref<512x256xf32, #tpu.memory_space<vmem>>, vector<512x256xf32>
      %get3A_34 = arith.constant 768 : index
      %get3A_35 = arith.constant 0 : index
      %get3A_36 = vector.load %arg6[%get3A_34, %get3A_35] : memref<1024x1024xf32, #tpu.memory_space<vmem>>, vector<256x1024xf32>
      %dot_general3A_37 = arith.constant dense<0.000000e+00> : vector<512x1024xf32>
      %dot_general3A_38 = tpu.matmul %get3A_33, %get3A_36, %dot_general3A_37 {dimension_numbers = #tpu.dot_dimension_numbers<[1], [0], [0], [1], [0, 0, 1, 1], [], []>, transpose_lhs_hint = false} : vector<512x256xf32>, vector<256x1024xf32>, vector<512x1024xf32> -> vector<512x1024xf32>
      %add3A_39 = arith.addf %add3A_30, %dot_general3A_38 : vector<512x1024xf32>
      %get3A_40 = arith.constant 0 : index
      %get3A_41 = arith.constant 0 : index
      %get3A_42 = vector.load %arg7[%get3A_40, %get3A_41] : memref<1x1024xf32, #tpu.memory_space<vmem>>, vector<1x1024xf32>
      %add3A_43 = vector.broadcast %get3A_42 : vector<1x1024xf32> to vector<512x1024xf32>
      %add3A_44 = arith.addf %add3A_39, %add3A_43 : vector<512x1024xf32>
      %get3A_45 = arith.constant 0 : index
      %get3A_46 = arith.constant 0 : index
      %get3A_47 = vector.load %arg8[%get3A_45, %get3A_46] : memref<1x1024xf32, #tpu.memory_space<vmem>>, vector<1x1024xf32>
      %get3A_48 = arith.constant 0 : index
      %get3A_49 = arith.constant 0 : index
      %get3A_50 = vector.load %arg9[%get3A_48, %get3A_49] : memref<1x1024xf32, #tpu.memory_space<vmem>>, vector<1x1024xf32>
      %reduce_sum3A = arith.constant dense<0.000000e+00> : vector<512xf32>
      %reduce_sum3A_51 = vector.multi_reduction <add>, %add3A_44, %reduce_sum3A [1] : vector<512x1024xf32> to vector<512xf32>
      %broadcast_in_dim3A = vector.shape_cast %reduce_sum3A_51 : vector<512xf32> to vector<512x1xf32>
      %div3A = arith.constant 1.024000e+03 : f32
      %div3A_52 = vector.broadcast %div3A : f32 to vector<512x1xf32>
      %div3A_53 = arith.divf %broadcast_in_dim3A, %div3A_52 : vector<512x1xf32>
      %sub3A = vector.broadcast %div3A_53 : vector<512x1xf32> to vector<512x1024xf32>
      %sub3A_54 = arith.subf %add3A_44, %sub3A : vector<512x1024xf32>
      %sub3A_55 = vector.broadcast %div3A_53 : vector<512x1xf32> to vector<512x1024xf32>
      %sub3A_56 = arith.subf %add3A_44, %sub3A_55 : vector<512x1024xf32>
      %mul3A = arith.mulf %sub3A_54, %sub3A_56 : vector<512x1024xf32>
      %reduce_sum3A_57 = arith.constant dense<0.000000e+00> : vector<512xf32>
      %reduce_sum3A_58 = vector.multi_reduction <add>, %mul3A, %reduce_sum3A_57 [1] : vector<512x1024xf32> to vector<512xf32>
      %broadcast_in_dim3A_59 = vector.shape_cast %reduce_sum3A_58 : vector<512xf32> to vector<512x1xf32>
      %div3A_60 = arith.constant 1.024000e+03 : f32
      %div3A_61 = vector.broadcast %div3A_60 : f32 to vector<512x1xf32>
      %div3A_62 = arith.divf %broadcast_in_dim3A_59, %div3A_61 : vector<512x1xf32>
      %sub3A_63 = vector.broadcast %div3A_53 : vector<512x1xf32> to vector<512x1024xf32>
      %sub3A_64 = arith.subf %add3A_44, %sub3A_63 : vector<512x1024xf32>
      %add3A_65 = arith.constant 9.99999974E-6 : f32
      %add3A_66 = vector.broadcast %add3A_65 : f32 to vector<512x1xf32>
      %add3A_67 = arith.addf %div3A_62, %add3A_66 : vector<512x1xf32>
      %sqrt3A = math.sqrt %add3A_67 : vector<512x1xf32>
      %div3A_68 = vector.broadcast %sqrt3A : vector<512x1xf32> to vector<512x1024xf32>
      %div3A_69 = arith.divf %sub3A_64, %div3A_68 : vector<512x1024xf32>
      %mul3A_70 = vector.broadcast %get3A_47 : vector<1x1024xf32> to vector<512x1024xf32>
      %mul3A_71 = arith.mulf %div3A_69, %mul3A_70 : vector<512x1024xf32>
      %add3A_72 = vector.broadcast %get3A_50 : vector<1x1024xf32> to vector<512x1024xf32>
      %add3A_73 = arith.addf %mul3A_71, %add3A_72 : vector<512x1024xf32>
      %max3A = arith.constant 0.000000e+00 : f32
      %max3A_74 = vector.broadcast %max3A : f32 to vector<512x1024xf32>
      %max3A_75 = arith.maximumf %add3A_73, %max3A_74 : vector<512x1024xf32>
      %get3A_76 = arith.constant 0 : index
      %get3A_77 = arith.constant 0 : index
      %get3A_78 = vector.load %arg10[%get3A_76, %get3A_77] : memref<1024x2xf32, #tpu.memory_space<vmem>>, vector<1024x2xf32>
      %dot_general3A_79 = arith.constant dense<0.000000e+00> : vector<512x2xf32>
      %dot_general3A_80 = tpu.matmul %max3A_75, %get3A_78, %dot_general3A_79 {dimension_numbers = #tpu.dot_dimension_numbers<[1], [0], [0], [1], [0, 0, 1, 1], [], []>, transpose_lhs_hint = false} : vector<512x1024xf32>, vector<1024x2xf32>, vector<512x2xf32> -> vector<512x2xf32>
      %get3A_81 = arith.constant 0 : index
      %get3A_82 = arith.constant 0 : index
      %get3A_83 = vector.load %arg11[%get3A_81, %get3A_82] : memref<1x2xf32, #tpu.memory_space<vmem>>, vector<1x2xf32>
      %add3A_84 = vector.broadcast %get3A_83 : vector<1x2xf32> to vector<512x2xf32>
      %add3A_85 = arith.addf %dot_general3A_80, %add3A_84 : vector<512x2xf32>
      %broadcast_in_dim3A_86 = arith.constant 0.000000e+00 : f32
      %broadcast_in_dim3A_87 = vector.broadcast %broadcast_in_dim3A_86 : f32 to vector<512x126xf32>
      %concatenate3A = tpu.concatenate %add3A_85, %broadcast_in_dim3A_87 in 1 : vector<512x2xf32>, vector<512x126xf32> -> vector<512x128xf32>
      %swap3A = arith.constant 0 : index
      %swap3A_88 = arith.constant 0 : index
      %swap3A_89 = vector.load %arg18[%swap3A, %swap3A_88] : memref<512x128xf32, #tpu.memory_space<vmem>>, vector<512x128xf32>
      tpu.vector_store %arg18[%swap3A, %swap3A_88], %concatenate3A {strides = array<i32>} : memref<512x128xf32, #tpu.memory_space<vmem>>, vector<512x128xf32>,
    } else {
    }
    %ne3A = arith.constant 0 : i32
    %ne3A_3 = arith.cmpi ne, %get3A_0, %ne3A : i32
    %convert_element_type3A_4 = arith.extui %ne3A_3 : i1 to i32
    %cond3A_5 = arith.constant 0 : i32
    %cond3A_6 = arith.cmpi ne, %convert_element_type3A_4, %cond3A_5 : i32
    scf.if %cond3A_6 {
      %get3A_7 = arith.constant 0 : index
      %get3A_8 = arith.constant 0 : index
      %get3A_9 = vector.load %arg2[%get3A_7, %get3A_8] : memref<512x256xf32, #tpu.memory_space<vmem>>, vector<512x256xf32>
      %get3A_10 = arith.constant 0 : index
      %get3A_11 = arith.constant 0 : index
      %get3A_12 = vector.load %arg12[%get3A_10, %get3A_11] : memref<1024x1024xf32, #tpu.memory_space<vmem>>, vector<256x1024xf32>
      %dot_general3A = arith.constant dense<0.000000e+00> : vector<512x1024xf32>
      %dot_general3A_13 = tpu.matmul %get3A_9, %get3A_12, %dot_general3A {dimension_numbers = #tpu.dot_dimension_numbers<[1], [0], [0], [1], [0, 0, 1, 1], [], []>, transpose_lhs_hint = false} : vector<512x256xf32>, vector<256x1024xf32>, vector<512x1024xf32> -> vector<512x1024xf32>
      %get3A_14 = arith.constant 0 : index
      %get3A_15 = arith.constant 0 : index
      %get3A_16 = vector.load %arg3[%get3A_14, %get3A_15] : memref<512x256xf32, #tpu.memory_space<vmem>>, vector<512x256xf32>
      %get3A_17 = arith.constant 256 : index
      %get3A_18 = arith.constant 0 : index
      %get3A_19 = vector.load %arg12[%get3A_17, %get3A_18] : memref<1024x1024xf32, #tpu.memory_space<vmem>>, vector<256x1024xf32>
      %dot_general3A_20 = arith.constant dense<0.000000e+00> : vector<512x1024xf32>
      %dot_general3A_21 = tpu.matmul %get3A_16, %get3A_19, %dot_general3A_20 {dimension_numbers = #tpu.dot_dimension_numbers<[1], [0], [0], [1], [0, 0, 1, 1], [], []>, transpose_lhs_hint = false} : vector<512x256xf32>, vector<256x1024xf32>, vector<512x1024xf32> -> vector<512x1024xf32>
      %add3A = arith.addf %dot_general3A_13, %dot_general3A_21 : vector<512x1024xf32>
      %get3A_22 = arith.constant 0 : index
      %get3A_23 = arith.constant 0 : index
      %get3A_24 = vector.load %arg4[%get3A_22, %get3A_23] : memref<512x256xf32, #tpu.memory_space<vmem>>, vector<512x256xf32>
      %get3A_25 = arith.constant 512 : index
      %get3A_26 = arith.constant 0 : index
      %get3A_27 = vector.load %arg12[%get3A_25, %get3A_26] : memref<1024x1024xf32, #tpu.memory_space<vmem>>, vector<256x1024xf32>
      %dot_general3A_28 = arith.constant dense<0.000000e+00> : vector<512x1024xf32>
      %dot_general3A_29 = tpu.matmul %get3A_24, %get3A_27, %dot_general3A_28 {dimension_numbers = #tpu.dot_dimension_numbers<[1], [0], [0], [1], [0, 0, 1, 1], [], []>, transpose_lhs_hint = false} : vector<512x256xf32>, vector<256x1024xf32>, vector<512x1024xf32> -> vector<512x1024xf32>
      %add3A_30 = arith.addf %add3A, %dot_general3A_29 : vector<512x1024xf32>
      %get3A_31 = arith.constant 0 : index
      %get3A_32 = arith.constant 0 : index
      %get3A_33 = vector.load %arg5[%get3A_31, %get3A_32] : memref<512x256xf32, #tpu.memory_space<vmem>>, vector<512x256xf32>
      %get3A_34 = arith.constant 768 : index
      %get3A_35 = arith.constant 0 : index
      %get3A_36 = vector.load %arg12[%get3A_34, %get3A_35] : memref<1024x1024xf32, #tpu.memory_space<vmem>>, vector<256x1024xf32>
      %dot_general3A_37 = arith.constant dense<0.000000e+00> : vector<512x1024xf32>
      %dot_general3A_38 = tpu.matmul %get3A_33, %get3A_36, %dot_general3A_37 {dimension_numbers = #tpu.dot_dimension_numbers<[1], [0], [0], [1], [0, 0, 1, 1], [], []>, transpose_lhs_hint = false} : vector<512x256xf32>, vector<256x1024xf32>, vector<512x1024xf32> -> vector<512x1024xf32>
      %add3A_39 = arith.addf %add3A_30, %dot_general3A_38 : vector<512x1024xf32>
      %get3A_40 = arith.constant 0 : index
      %get3A_41 = arith.constant 0 : index
      %get3A_42 = vector.load %arg13[%get3A_40, %get3A_41] : memref<1x1024xf32, #tpu.memory_space<vmem>>, vector<1x1024xf32>
      %add3A_43 = vector.broadcast %get3A_42 : vector<1x1024xf32> to vector<512x1024xf32>
      %add3A_44 = arith.addf %add3A_39, %add3A_43 : vector<512x1024xf32>
      %get3A_45 = arith.constant 0 : index
      %get3A_46 = arith.constant 0 : index
      %get3A_47 = vector.load %arg14[%get3A_45, %get3A_46] : memref<1x1024xf32, #tpu.memory_space<vmem>>, vector<1x1024xf32>
      %get3A_48 = arith.constant 0 : index
      %get3A_49 = arith.constant 0 : index
      %get3A_50 = vector.load %arg15[%get3A_48, %get3A_49] : memref<1x1024xf32, #tpu.memory_space<vmem>>, vector<1x1024xf32>
      %reduce_sum3A = arith.constant dense<0.000000e+00> : vector<512xf32>
      %reduce_sum3A_51 = vector.multi_reduction <add>, %add3A_44, %reduce_sum3A [1] : vector<512x1024xf32> to vector<512xf32>
      %broadcast_in_dim3A = vector.shape_cast %reduce_sum3A_51 : vector<512xf32> to vector<512x1xf32>
      %div3A = arith.constant 1.024000e+03 : f32
      %div3A_52 = vector.broadcast %div3A : f32 to vector<512x1xf32>
      %div3A_53 = arith.divf %broadcast_in_dim3A, %div3A_52 : vector<512x1xf32>
      %sub3A = vector.broadcast %div3A_53 : vector<512x1xf32> to vector<512x1024xf32>
      %sub3A_54 = arith.subf %add3A_44, %sub3A : vector<512x1024xf32>
      %sub3A_55 = vector.broadcast %div3A_53 : vector<512x1xf32> to vector<512x1024xf32>
      %sub3A_56 = arith.subf %add3A_44, %sub3A_55 : vector<512x1024xf32>
      %mul3A = arith.mulf %sub3A_54, %sub3A_56 : vector<512x1024xf32>
      %reduce_sum3A_57 = arith.constant dense<0.000000e+00> : vector<512xf32>
      %reduce_sum3A_58 = vector.multi_reduction <add>, %mul3A, %reduce_sum3A_57 [1] : vector<512x1024xf32> to vector<512xf32>
      %broadcast_in_dim3A_59 = vector.shape_cast %reduce_sum3A_58 : vector<512xf32> to vector<512x1xf32>
      %div3A_60 = arith.constant 1.024000e+03 : f32
      %div3A_61 = vector.broadcast %div3A_60 : f32 to vector<512x1xf32>
      %div3A_62 = arith.divf %broadcast_in_dim3A_59, %div3A_61 : vector<512x1xf32>
      %sub3A_63 = vector.broadcast %div3A_53 : vector<512x1xf32> to vector<512x1024xf32>
      %sub3A_64 = arith.subf %add3A_44, %sub3A_63 : vector<512x1024xf32>
      %add3A_65 = arith.constant 9.99999974E-6 : f32
      %add3A_66 = vector.broadcast %add3A_65 : f32 to vector<512x1xf32>
      %add3A_67 = arith.addf %div3A_62, %add3A_66 : vector<512x1xf32>
      %sqrt3A = math.sqrt %add3A_67 : vector<512x1xf32>
      %div3A_68 = vector.broadcast %sqrt3A : vector<512x1xf32> to vector<512x1024xf32>
      %div3A_69 = arith.divf %sub3A_64, %div3A_68 : vector<512x1024xf32>
      %mul3A_70 = vector.broadcast %get3A_47 : vector<1x1024xf32> to vector<512x1024xf32>
      %mul3A_71 = arith.mulf %div3A_69, %mul3A_70 : vector<512x1024xf32>
      %add3A_72 = vector.broadcast %get3A_50 : vector<1x1024xf32> to vector<512x1024xf32>
      %add3A_73 = arith.addf %mul3A_71, %add3A_72 : vector<512x1024xf32>
      %max3A = arith.constant 0.000000e+00 : f32
      %max3A_74 = vector.broadcast %max3A : f32 to vector<512x1024xf32>
      %max3A_75 = arith.maximumf %add3A_73, %max3A_74 : vector<512x1024xf32>
      %get3A_76 = arith.constant 0 : index
      %get3A_77 = arith.constant 0 : index
      %get3A_78 = vector.load %arg16[%get3A_76, %get3A_77] : memref<1024x2xf32, #tpu.memory_space<vmem>>, vector<1024x2xf32>
      %dot_general3A_79 = arith.constant dense<0.000000e+00> : vector<512x2xf32>
      %dot_general3A_80 = tpu.matmul %max3A_75, %get3A_78, %dot_general3A_79 {dimension_numbers = #tpu.dot_dimension_numbers<[1], [0], [0], [1], [0, 0, 1, 1], [], []>, transpose_lhs_hint = false} : vector<512x1024xf32>, vector<1024x2xf32>, vector<512x2xf32> -> vector<512x2xf32>
      %get3A_81 = arith.constant 0 : index
      %get3A_82 = arith.constant 0 : index
      %get3A_83 = vector.load %arg17[%get3A_81, %get3A_82] : memref<1x2xf32, #tpu.memory_space<vmem>>, vector<1x2xf32>
      %add3A_84 = vector.broadcast %get3A_83 : vector<1x2xf32> to vector<512x2xf32>
      %add3A_85 = arith.addf %dot_general3A_80, %add3A_84 : vector<512x2xf32>
      %broadcast_in_dim3A_86 = arith.constant 0.000000e+00 : f32
      %broadcast_in_dim3A_87 = vector.broadcast %broadcast_in_dim3A_86 : f32 to vector<512x126xf32>
      %concatenate3A = tpu.concatenate %add3A_85, %broadcast_in_dim3A_87 in 1 : vector<512x2xf32>, vector<512x126xf32> -> vector<512x128xf32>
      %swap3A = arith.constant 0 : index
      %swap3A_88 = arith.constant 0 : index
      %swap3A_89 = vector.load %arg18[%swap3A, %swap3A_88] : memref<512x128xf32, #tpu.memory_space<vmem>>, vector<512x128xf32>
      tpu.vector_store %arg18[%swap3A, %swap3A_88], %concatenate3A {strides = array<i32>} : memref<512x128xf32, #tpu.memory_space<vmem>>, vector<512x128xf32>,
    } else {
    }
    return
  }
  func.func @transform_0(%arg0: i32, %arg1: memref<17xi32, #tpu.memory_space<smem>>) -> (i32, i32) {
    %add3A = arith.constant 0 : i32
    %add3A_0 = arith.addi %add3A, %arg0 : i32
    %c0_i32 = arith.constant 0 : i32
    %c0_i32_1 = arith.constant 0 : i32
    return %add3A_0, %c0_i32 : i32, i32
  }
  func.func @transform_1(%arg0: i32, %arg1: memref<17xi32, #tpu.memory_space<smem>>) -> (i32, i32) {
    %add3A = arith.constant 17 : i32
    %add3A_0 = arith.addi %add3A, %arg0 : i32
    %c0_i32 = arith.constant 0 : i32
    %c0_i32_1 = arith.constant 0 : i32
    return %add3A_0, %c0_i32 : i32, i32
  }
  func.func @transform_2(%arg0: i32, %arg1: memref<17xi32, #tpu.memory_space<smem>>) -> (i32, i32) {
    %add3A = arith.constant 34 : i32
    %add3A_0 = arith.addi %add3A, %arg0 : i32
    %c0_i32 = arith.constant 0 : i32
    %c0_i32_1 = arith.constant 0 : i32
    return %add3A_0, %c0_i32 : i32, i32
  }
  func.func @transform_3(%arg0: i32, %arg1: memref<17xi32, #tpu.memory_space<smem>>) -> (i32, i32) {
    %add3A = arith.constant 51 : i32
    %add3A_0 = arith.addi %add3A, %arg0 : i32
    %c0_i32 = arith.constant 0 : i32
    %c0_i32_1 = arith.constant 0 : i32
    return %add3A_0, %c0_i32 : i32, i32
  }
  func.func @transform_4(%arg0: i32, %arg1: memref<17xi32, #tpu.memory_space<smem>>) -> (i32, i32) {
    %c0_i32 = arith.constant 0 : i32
    %c0_i32_0 = arith.constant 0 : i32
    %c0_i32_1 = arith.constant 0 : i32
    return %c0_i32, %c0_i32_0 : i32, i32
  }
  func.func @transform_5(%arg0: i32, %arg1: memref<17xi32, #tpu.memory_space<smem>>) -> (i32, i32) {
    %c0_i32 = arith.constant 0 : i32
    %c0_i32_0 = arith.constant 0 : i32
    %c0_i32_1 = arith.constant 0 : i32
    return %c0_i32, %c0_i32_0 : i32, i32
  }
  func.func @transform_6(%arg0: i32, %arg1: memref<17xi32, #tpu.memory_space<smem>>) -> (i32, i32) {
    %c0_i32 = arith.constant 0 : i32
    %c0_i32_0 = arith.constant 0 : i32
    %c0_i32_1 = arith.constant 0 : i32
    return %c0_i32, %c0_i32_0 : i32, i32
  }
  func.func @transform_7(%arg0: i32, %arg1: memref<17xi32, #tpu.memory_space<smem>>) -> (i32, i32) {
    %c0_i32 = arith.constant 0 : i32
    %c0_i32_0 = arith.constant 0 : i32
    %c0_i32_1 = arith.constant 0 : i32
    return %c0_i32, %c0_i32_0 : i32, i32
  }
  func.func @transform_8(%arg0: i32, %arg1: memref<17xi32, #tpu.memory_space<smem>>) -> (i32, i32) {
    %c0_i32 = arith.constant 0 : i32
    %c0_i32_0 = arith.constant 0 : i32
    %c0_i32_1 = arith.constant 0 : i32
    return %c0_i32, %c0_i32_0 : i32, i32
  }
  func.func @transform_9(%arg0: i32, %arg1: memref<17xi32, #tpu.memory_space<smem>>) -> (i32, i32) {
    %c0_i32 = arith.constant 0 : i32
    %c0_i32_0 = arith.constant 0 : i32
    %c0_i32_1 = arith.constant 0 : i32
    return %c0_i32, %c0_i32_0 : i32, i32
  }
  func.func @transform_10(%arg0: i32, %arg1: memref<17xi32, #tpu.memory_space<smem>>) -> (i32, i32) {
    %c0_i32 = arith.constant 0 : i32
    %c0_i32_0 = arith.constant 0 : i32
    %c0_i32_1 = arith.constant 0 : i32
    return %c0_i32, %c0_i32_0 : i32, i32
  }
  func.func @transform_11(%arg0: i32, %arg1: memref<17xi32, #tpu.memory_space<smem>>) -> (i32, i32) {
    %c0_i32 = arith.constant 0 : i32
    %c0_i32_0 = arith.constant 0 : i32
    %c0_i32_1 = arith.constant 0 : i32
    return %c0_i32, %c0_i32_0 : i32, i32
  }
  func.func @transform_12(%arg0: i32, %arg1: memref<17xi32, #tpu.memory_space<smem>>) -> (i32, i32) {
    %c0_i32 = arith.constant 0 : i32
    %c0_i32_0 = arith.constant 0 : i32
    %c0_i32_1 = arith.constant 0 : i32
    return %c0_i32, %c0_i32_0 : i32, i32
  }
  func.func @transform_13(%arg0: i32, %arg1: memref<17xi32, #tpu.memory_space<smem>>) -> (i32, i32) {
    %c0_i32 = arith.constant 0 : i32
    %c0_i32_0 = arith.constant 0 : i32
    %c0_i32_1 = arith.constant 0 : i32
    return %c0_i32, %c0_i32_0 : i32, i32
  }
  func.func @transform_14(%arg0: i32, %arg1: memref<17xi32, #tpu.memory_space<smem>>) -> (i32, i32) {
    %c0_i32 = arith.constant 0 : i32
    %c0_i32_0 = arith.constant 0 : i32
    %c0_i32_1 = arith.constant 0 : i32
    return %c0_i32, %c0_i32_0 : i32, i32
  }
  func.func @transform_15(%arg0: i32, %arg1: memref<17xi32, #tpu.memory_space<smem>>) -> (i32, i32) {
    %c0_i32 = arith.constant 0 : i32
    %c0_i32_0 = arith.constant 0 : i32
    %c0_i32_1 = arith.constant 0 : i32
    return %c0_i32, %c0_i32_0 : i32, i32
  }
  func.func @transform_16(%arg0: i32, %arg1: memref<17xi32, #tpu.memory_space<smem>>) -> (i32, i32) {
    %c0_i32 = arith.constant 0 : i32
    %c0_i32_0 = arith.constant 0 : i32
    return %arg0, %c0_i32 : i32, i32
  }
}

</mosaic_0001>

<sc_bundles>
// kernel: kernel.10.cloned.1.call-start
scs
__scs_entry_jumppad:
0x0: {  	(pc) =	sbr.rel $0x88, $3  }
0x1: {  	(tag) =	ssettag $0x0;
	lr =	simm.s32 $0x1  }
0x2: {  	[smem:$0x3F8E] =	sst lr;
	_ =	strace $0xD0000000  }
0x3: {  	_ = 	snop  }
0x4: {  	_ = 	snop  }
0x5: {  	_ = 	snop  }
0x6: {  	_ = 	snop  }
0x7: {  	_ = 	snop  }
__scs_overlays_trampoline_lowered:
0x8: {  	[smem:$0x3F9D] =	sst s0  }
0x9: {  	[smem:$0x3F9E] =	sst s1  }
0xa: {  	[smem:$0x3F9F] =	sst s2  }
0xb: {  	[smem:$0x3FA0] =	sst s3  }
0xc: {  	[smem:$0x3FA1] =	sst s4  }
0xd: {  	[smem:$0x3FA2] =	sst s5  }
0xe: {  	[smem:$0x3FA3] =	sst s6  }
0xf: {  	[smem:$0x3FA4] =	sst s7  }
0x10: {  	[smem:$0x3FA5] =	sst s8  }
0x11: {  	[smem:$0x3FA6] =	sst s9;
	s0 =	simm.s32 @!p0 $0x0  }
0x12: {  	s1 =	sld [smem:$0x3F8C];
	s0 =	simm.s32 @p0 $0x1  }
0x13: {  	[smem:$0x3FA7] =	sst s0;
	s0 =	simm.s32 @!p1 $0x0  }
0x14: {  	s2 =	sld [smem:$0x3F8B];
	s0 =	simm.s32 @p1 $0x1  }
0x15: {  	[smem:$0x3FA8] =	sst s0;
	s0 =	simm.s32 @!p2 $0x0  }
0x16: {  	s3 =	sld [smem:$0x3FDB];
	s0 =	simm.s32 @p2 $0x1  }
0x17: {  	s4 =	simm.s32 $0x1BF5;
	[smem:$0x3FAA] =	sst s0  }
0x18: {  	s0 =	sld [smem:$0x3F8D];
	_ =	swait.ge [sflag:s4], $0x0  }
0x19: {  	s7 =	sld [smem:$0x3F8E]  }
0x1a: {  	s8 =	sadd.s32 $0xFFFFE003, lr  }
0x1b: {  	s9 =	sadd.s32 $0xFFFFFEF7, lr;
	s5 =	simm.s32 $0xFFFFFFFF;
	p2 =	slt.u32 s8, $0xFFFFF086  }
0x1c: {  	p1 =	slt.u32 s9, $0xF7A;
	s5 =	simm.s32 @!p2 $0x0  }
0x1d: {  	s5 =	simm.s32 @p1 $0x1;
	p0 =	seq.s32 s7, s2  }
0x1e: {  	s7 =	smul.u32 @!p0 $0xF7A, s2;
	p2 =	seq.s32 @!p0 s5, $0x0  }
0x1f: {  	s9 =	smul.u32 $0xF7A, s1;
	s8 =	simm.s32 @!p0 $0x1BF5;
	p2 =	por !p2, p0  }
0x20: {  	[sflag:s8] =	ssyncset.s32 @!p0 $0xFFFFF086;
	s6 =	sadd.s32 @!p0 s3, s7;
	s7 =	simm.s32 @!p0 $0x108  }
0x21: {  	s3 =	sadd.s32 s3, s9;
	s6 =	sadd.s32 @!p0 $0x88, s6;
	s7 =	simm.s32 @p2 $0x1082  }
0x22: {  	[simem:s7], [sflag:s8] =	dma.local @!p0 [hbm:s6], $0xF7A  }
0x23: {  	s9 =	sor.u32 $0xD0000000, s2;
	s6 =	simm.s32 $0x108;
	_ =	swait.ge @!p0 [sflag:s8], $0x0  }
0x24: {  	s3 =	sadd.s32 $0x88, s3;
	s6 =	simm.s32 @!p1 $0x1082;
	[sflag:s4] =	ssyncset.s32 $0xFFFFF086  }
0x25: {  	[simem:s6], [sflag:s4] =	dma.local [hbm:s3], $0xF7A  }
0x26: {  	[smem:$0x3F8E] =	sst s1;
	(tag) =	ssettag s2;
	_ =	strace s9  }
0x27: {  	s1 =	sld [smem:$0x3F9E]  }
0x28: {  	s2 =	sld [smem:$0x3F9F]  }
0x29: {  	s4 =	sld [smem:$0x3FA1]  }
0x2a: {  	p0 =	seq.s32 s5, $0x0;
	s5 =	sld [smem:$0x3FA2]  }
0x2b: {  	s6 =	sld [smem:$0x3FA3]  }
0x2c: {  	s7 =	sld [smem:$0x3FA4]  }
0x2d: {  	s3 =	simm.s32 $0x108;
	s8 =	sld [smem:$0x3FA5]  }
0x2e: {  	s3 =	simm.s32 @!p0 $0x1082;
	s9 =	sld [smem:$0x3FA6]  }
0x2f: {  	lr =	sadd.s32 s0, s3;
	s0 =	sld [smem:$0x3F9D]  }
0x30: {  	s3 =	sld [smem:$0x3FA0]  }
0x31: {  	[smem:$0x3FA9] =	sst s10  }
0x32: {  	s10 =	sld [smem:$0x3FA7];
	_ =	sdelay $0x3  }
0x33: {  	p0 =	seq.s32 s10, $0x1;
	s10 =	sld [smem:$0x3FA9];
	_ =	sdelay $0x3  }
0x34: {  	[smem:$0x3FA9] =	sst s10  }
0x35: {  	s10 =	sld [smem:$0x3FA8];
	_ =	sdelay $0x3  }
0x36: {  	p1 =	seq.s32 s10, $0x1;
	s10 =	sld [smem:$0x3FA9];
	_ =	sdelay $0x3  }
0x37: {  	[smem:$0x3FA9] =	sst s10  }
0x38: {  	s10 =	sld [smem:$0x3FAA]  }
0x39: {  	_ = 	snop;
	(pc) =	sbr.ind lr, $3  }
0x3a: {  	_ = 	snop  }
0x3b: {  	_ = 	snop  }
0x3c: {  	p2 =	seq.s32 s10, $0x1;
	s10 =	sld [smem:$0x3FA9]  }
0x3d: {  	_ =	shalt  }
0x3e: {  	_ =	shalt  }
0x3f: {  	_ =	shalt  }
0x40: {  	_ =	shalt  }
0x41: {  	_ =	shalt  }
0x42: {  	_ =	shalt  }
0x43: {  	_ =	shalt  }
0x44: {  	_ =	shalt  }
0x45: {  	_ =	shalt  }
0x46: {  	_ =	shalt  }
0x47: {  	_ =	shalt  }
0x48: {  	_ =	shalt  }
0x49: {  	_ =	shalt  }
0x4a: {  	_ =	shalt  }
0x4b: {  	_ =	shalt  }
0x4c: {  	_ =	shalt  }
0x4d: {  	_ =	shalt  }
0x4e: {  	_ =	shalt  }
0x4f: {  	_ =	shalt  }
0x50: {  	_ =	shalt  }
0x51: {  	_ =	shalt  }
0x52: {  	_ =	shalt  }
0x53: {  	_ =	shalt  }
0x54: {  	_ =	shalt  }
0x55: {  	_ =	shalt  }
0x56: {  	_ =	shalt  }
0x57: {  	_ =	shalt  }
0x58: {  	_ =	shalt  }
0x59: {  	_ =	shalt  }
0x5a: {  	_ =	shalt  }
0x5b: {  	_ =	shalt  }
0x5c: {  	_ =	shalt  }
0x5d: {  	_ =	shalt  }
0x5e: {  	_ =	shalt  }
0x5f: {  	_ =	shalt  }
0x60: {  	_ =	shalt  }
0x61: {  	_ =	shalt  }
0x62: {  	_ =	shalt  }
0x63: {  	_ =	shalt  }
0x64: {  	_ =	shalt  }
0x65: {  	_ =	shalt  }
0x66: {  	_ =	shalt  }
0x67: {  	_ =	shalt  }
0x68: {  	_ =	shalt  }
0x69: {  	_ =	shalt  }
0x6a: {  	_ =	shalt  }
0x6b: {  	_ =	shalt  }
0x6c: {  	_ =	shalt  }
0x6d: {  	_ =	shalt  }
0x6e: {  	_ =	shalt  }
0x6f: {  	_ =	shalt  }
0x70: {  	_ =	shalt  }
0x71: {  	_ =	shalt  }
0x72: {  	_ =	shalt  }
0x73: {  	_ =	shalt  }
0x74: {  	_ =	shalt  }
0x75: {  	_ =	shalt  }
0x76: {  	_ =	shalt  }
0x77: {  	_ =	shalt  }
0x78: {  	_ =	shalt  }
0x79: {  	_ =	shalt  }
0x7a: {  	_ =	shalt  }
0x7b: {  	_ =	shalt  }
0x7c: {  	_ =	shalt  }
0x7d: {  	_ =	shalt  }
0x7e: {  	_ =	shalt  }
0x7f: {  	_ =	shalt  }
0x80: {  	_ =	shalt  }
0x81: {  	_ =	shalt  }
0x82: {  	_ =	shalt  }
0x83: {  	_ =	shalt  }
0x84: {  	_ =	shalt  }
0x85: {  	_ =	shalt  }
0x86: {  	_ =	shalt  }
0x87: {  	_ =	shalt  }
.Lfunc_end0:
.L_simem_size_0:
called_computation.1_lowered:
.L_overlay_start_0:
0x88: {  	s2 =	sld [smem:$0x3FD9]  }
0x89: {  	s3 =	sld [smem:$0x3FFE];
	_ =	sdelay $0x1  }
0x8a: {  	s1 =	srdreg.scid  }
0x8b: {  	s0 =	sand.u32 $0x1, s1  }
0x8c: {  	s14 =	sshll.u32 s0, $0xA;
	s2 =	sadd.s32 s3, s2  }
0x8d: {  	s2 =	sadd.s32 s2, s14  }
0x8e: {  	[smem:$0x3FB5] =	sst s2  }
0x8f: {  	_ = 	snop  }
0x90: {  	s2 =	sld [smem:$0x3FD0];
	_ =	sdelay $0x2  }
0x91: {  	s15 =	simm.s32 $0xA;
	s4 =	simm.s32 $0x10  }
0x92: {  	[smem:s4], [sflag:s15] =	dma.local [hbm:s2], $0x1  }
0x93: {  	_ =	swait.eq [sflag:s15], $0x1  }
0x94: {  	[sflag:s15] =	ssyncset.done $0x0  }
0x95: {  	[sflag:s15] =	ssyncadd.s32 $0xFFFFFFFF  }
0x96: {  	s16 =	sld [smem:$0x11];
	(tm) =	ssettm $0x1  }
0x97: {  	s17 =	sld [smem:$0x3FFB];
	_ =	sdelay $0x3  }
0x98: {  	_ =	strace s17  }
0x99: {  	s3 =	sld [smem:$0x3FFC];
	_ =	sdelay $0x3  }
0x9a: {  	_ =	strace s3  }
0x9b: {  	s3 =	sld [smem:$0x3FFD];
	_ =	sdelay $0x3  }
0x9c: {  	_ =	strace s3  }
0x9d: {  	_ =	strace $0x8FFFFFFF  }
0x9e: {  	s18 =	sld [smem:$0x3FDB];
	_ =	sdelay $0x1  }
0x9f: {  	s19 =	simm.s32 $_scs_section_size  }
0xa0: {  	s5 =	simm.s32 $_size__tile_overlayer_lowered;
	s6 =	simm.s32 $_tile_overlayer_lowered  }
0xa1: {  	s22 =	simm.s32 $0x1BFF;
	s21 =	sshll.u32 s6, $0x1;
	s3 =	sadd.s32 s19, s18  }
0xa2: {  	s7 =	simm.s32 $0x0;
	s20 =	sshll.u32 s5, $0x1;
	s5 =	sadd.s32 s21, s3  }
0xa3: {  	[timem:s7], [sflag:s22] =	dma.local [hbm:s5], s20  }
0xa4: {  	_ =	swait.ge [sflag:s22], s20  }
0xa5: {  	s4 =	ssub.s32 $0x0, s20;
	[sflag:s22] =	ssyncset.done $0x0  }
0xa6: {  	[sflag:s22] =	ssyncadd.s32 s4;
	_ =	sdelay $0x1  }
0xa7: {  	s23 =	simm.s32 $0x1B8B  }
0xa8: {  	_ =	swait.ge [sflag:s23], $0x1  }
0xa9: {  	[sflag:s23] =	ssyncset.done $0x0  }
0xaa: {  	s25 =	simm.s32 $0x1B8E;
	s24 =	sld [smem:$0x3FFE];
	[sflag:s23] =	ssyncadd.s32 $0xFFFFFFFF  }
0xab: {  	s26 =	simm.s32 $execute0_lowered;
	[smem:$0x3FD2] =	sst s25  }
0xac: {  	s5 =	sshll.u32 s26, $0x1;
	_ =	strace $0x8000004F;
	[dreg:$0x1] =	wrdreg $0xFFFFFFFF  }
0xad: {  	s28 =	simm.s32 $_size_execute0_lowered;
	s3 =	sadd.s32 s3, s5;
	[dreg:$0x0] =	wrdreg $0x0  }
0xae: {  	s5 =	sshll.u32 s28, $0x1;
	[dreg:$0x2] =	wrdreg s3  }
0xaf: {  	[dreg:$0x3] =	wrdreg s5  }
0xb0: {  	[dreg:$0x4] =	wrdreg $0xC0  }
0xb1: {  	_ =	task [dreg:s7], $0x5FFFF  }
0xb2: {  	[dreg:$0x1] =	wrdreg $0xFFFFFFFF  }
0xb3: {  	[dreg:$0x0] =	wrdreg $0x60  }
0xb4: {  	[dreg:$0x2] =	wrdreg s24  }
0xb5: {  	[dreg:$0x3] =	wrdreg s16  }
0xb6: {  	[dreg:$0x4] =	wrdreg $0x9  }
0xb7: {  	_ =	task.clear_ibuf [dreg:s7], $0x5FFFF;
	_ =	strace $0x9000004F  }
0xb8: {  	s29 =	simm.s32 $0x9;
	_ =	strace $0x80000058  }
0xb9: {  	_ =	swait.ge [sflag:s29], $0x1  }
0xba: {  	[sflag:s29] =	ssyncadd.s32 $0xFFFFFFFF  }
0xbb: {  	_ =	strace $0x90000058  }
0xbc: {  	_ =	sfence  }
0xbd: {  	s30 =	sld [smem:$0x0];
	_ =	sdelay $0x2  }
0xbe: {  	s31 =	sshll.u32 s1, $0xD;
	s1 =	sshrl.u32 s1, $0x2  }
0xbf: {  	s3 =	sand.u32 $0x4000, s31;
	s1 =	sadd.s32 s1, s30  }
0xc0: {  	s0 =	sor.u32 s3, s0;
	s1 =	sshll.u32 s1, $0x11  }
0xc1: {  	s0 =	sor.u32 s1, s0  }
0xc2: {  	s0 =	sadd.s32 $0x8F2B, s0  }
0xc3: {  	[sflag:s0] =	ssyncadd.remote.s32 $0x1  }
0xc4: {  	_ =	sfence.sel $0xFFFF  }
0xc5: {  	[dreg:$0x0] =	wrdreg $0xFFFFFFFF;
	(pc) =	sbr.abs _section_cstart, $3  }
0xc6: {  	[dreg:$0x1] =	wrdreg $0xFFFFFFFF  }
0xc7: {  	_ =	task.clear_ibuf [dreg:s7], $0x2FFFF;
	_ =	strace $0x9FFFFFFF  }
0xc8: {  	(tm) =	ssettm $0x7FFFFFFF  }
0xc9: {  	_ =	shalt  }
tec
execute0_lowered:
.L_overlay_start_1:
0x0: {  	(tag) =	ssettag $0x1  }
0x1: {  	s10 =	rddreg [dreg:$0x0];
	s0 =	srdreg.scid  }
0x2: {  	s4 =	rddreg [dreg:$0x1];
	s1 =	stileid.u32;
	s15 =	sand.u32 $0x1, s0  }
0x3: {  	s2 =	simm.s32 $0x0;
	s5 =	sshll.u32 s1, $0x1;
	s3 =	sshll.u32 s15, $0x5  }
0x4: {  	s0 =	rddreg [dreg:$0x2];
	s31 =	sshll.u32 s1, $0x5;
	s11 =	sor.u32 s5, s3  }
0x5: {  	[smem:$0x7FF] =	sst s2;
	s3 =	sand.u32 $0x60, s31;
	s5 =	sshll.u32 s11, $0x4  }
0x6: {  	_ =	strace $0x80000050;
	s3 =	sadd.s32 s4, s3;
	s6 =	sand.u32 $0x380, s5  }
0x7: {  	_ =	strace $0x80000051;
	s3 =	sadd.s32 s6, s3  }
0x8: {  	[tilespmem:s2], [sflag:$0x1] =	stream.linear.gather [hbm4b:s3+s2], $0x80, $0x200038;
	[tilespmem:$0x8100] =	vst v63  }
0x9: {  	s4 =	sadd.s32 s5, s4;
	_ =	strace $0x90000051  }
0xa: {  	s5 =	simm.s32 $0x80;
	s4 =	sadd.s32 $0x10, s4;
	_ =	strace $0x80000052  }
0xb: {  	[tilespmem:s5], [sflag:$0x2] =	stream.linear.gather [hbm4b:s4+s2], $0x80, $0x200038;
	[tilespmem:$0x8100] =	vst v63  }
0xc: {  	_ =	strace $0x90000052  }
0xd: {  	s6 =	simm.s32 $0x1;
	_ =	strace $0x80000053  }
0xe: {  	_ =	swait.ge [sflag:s6], $0x80  }
0xf: {  	[sflag:s6] =	ssyncset.done $0x0  }
0x10: {  	[sflag:s6] =	ssyncadd.s32 $0xFFFFFF80  }
0x11: {  	s8 =	simm.s32 $0x100;
	_ =	strace $0x90000053  }
0x12: {  	s9 =	simm.s32 $0x5;
	s7 =	sadd.s32 $0x3400, s10;
	_ =	strace $0x80000054  }
0x13: {  	[tilespmem:s8], [sflag:$0x5] =	stream.indirect.gather [hbm4b:s7+s5], $0x80, s2, s5, $0x2000b8;
	[tilespmem:$0x8100] =	vst v63  }
0x14: {  	_ =	swait.ge [sflag:s9], $0x4000  }
0x15: {  	[sflag:s9] =	ssyncset.done $0x0  }
0x16: {  	s11 =	sshll.u32 s11, $0xB;
	[sflag:s9] =	ssyncadd.s32 $0xFFFFC000  }
0x17: {  	s13 =	sadd.s32 s11, s10;
	_ =	strace $0x90000054  }
0x18: {  	s10 =	sadd.s32 $0x25400, s13;
	_ =	strace $0x80000055  }
0x19: {  	[hbm4b:s10+s2] =	stream.linear.scatter [tilespmem:s8], [sflag:$0x3], $0x4000, $0x200038;
	[tilespmem:$0x8100] =	vst v63  }
0x1a: {  	_ =	strace $0x90000055  }
0x1b: {  	s11 =	simm.s32 $0x2;
	_ =	strace $0x80000053  }
0x1c: {  	_ =	swait.ge [sflag:s11], $0x80  }
0x1d: {  	[sflag:s11] =	ssyncset.done $0x0  }
0x1e: {  	[sflag:s11] =	ssyncadd.s32 $0xFFFFFF80  }
0x1f: {  	_ =	strace $0x90000053  }
0x20: {  	s12 =	simm.s32 $0x4100;
	_ =	strace $0x80000054  }
0x21: {  	[tilespmem:s12], [sflag:$0x5] =	stream.indirect.gather [hbm4b:s7+s5], $0x80, s5, s5, $0x2000b8;
	[tilespmem:$0x8100] =	vst v63  }
0x22: {  	_ =	swait.ge [sflag:s9], $0x4000  }
0x23: {  	[sflag:s9] =	ssyncset.done $0x0  }
0x24: {  	[sflag:s9] =	ssyncadd.s32 $0xFFFFC000  }
0x25: {  	_ =	strace $0x90000054  }
0x26: {  	s13 =	sadd.s32 $0x25C00, s13;
	_ =	strace $0x80000055  }
0x27: {  	[hbm4b:s13+s2] =	stream.linear.scatter [tilespmem:s12], [sflag:$0x4], $0x4000, $0x200038;
	[tilespmem:$0x8100] =	vst v63  }
0x28: {  	s15 =	ssub.s32 $0x2, s15;
	_ =	strace $0x90000055  }
0x29: {  	s14 =	simm.s32 $0x3;
	s16 =	sshrl.u32 s15, $0x1;
	_ =	strace $0x80000056  }
0x2a: {  	s16 =	ssub.s32 s15, s16;
	_ =	swait.ge [sflag:s14], $0x4000  }
0x2b: {  	s16 =	smax.u32 s16, $0x1;
	[sflag:s14] =	ssyncset.done $0x0  }
0x2c: {  	p0 =	sne.s32 s16, $0x1;
	[sflag:s14] =	ssyncadd.s32 $0xFFFFC000  }
.Ltmp0:
0x2d: {  	_ =	strace $0x90000056;
	(pc) =	sbr.rel @!p0 .LBB2_2-.Ltmp0, $4  }
0x2e: {  	s15 =	simm.s32 $0x4;
	_ =	strace $0x80000057  }
0x2f: {  	_ =	swait.ge [sflag:s15], $0x4000  }
0x30: {  	[sflag:s15] =	ssyncset.done $0x0  }
0x31: {  	s16 =	sadd.s32 $0xFFFFFFFF, s16;
	[sflag:s15] =	ssyncadd.s32 $0xFFFFC000  }
.LBB2_1:
0x32: {  	p0 =	sne.s32 s16, $0x1;
	s16 =	sadd.s32 $0xFFFFFFFF, s16;
	_ =	strace $0x90000057  }
0x33: {  	_ =	strace $0x80000051  }
0x34: {  	[tilespmem:s2], [sflag:$0x1] =	stream.linear.gather [hbm4b:s3+s2], $0x80, $0x200038;
	[tilespmem:$0x8100] =	vst v63  }
0x35: {  	_ =	strace $0x90000051  }
0x36: {  	_ =	strace $0x80000052  }
0x37: {  	[tilespmem:s5], [sflag:$0x2] =	stream.linear.gather [hbm4b:s4+s2], $0x80, $0x200038;
	[tilespmem:$0x8100] =	vst v63  }
0x38: {  	_ =	strace $0x90000052  }
0x39: {  	_ =	strace $0x80000053  }
0x3a: {  	_ =	swait.ge [sflag:s6], $0x80  }
0x3b: {  	[sflag:s6] =	ssyncset.done $0x0  }
0x3c: {  	[sflag:s6] =	ssyncadd.s32 $0xFFFFFF80  }
0x3d: {  	_ =	strace $0x90000053  }
0x3e: {  	_ =	strace $0x80000054  }
0x3f: {  	[tilespmem:s8], [sflag:$0x5] =	stream.indirect.gather [hbm4b:s7+s5], $0x80, s2, s5, $0x2000b8;
	[tilespmem:$0x8100] =	vst v63  }
0x40: {  	_ =	swait.ge [sflag:s9], $0x4000  }
0x41: {  	[sflag:s9] =	ssyncset.done $0x0  }
0x42: {  	[sflag:s9] =	ssyncadd.s32 $0xFFFFC000  }
0x43: {  	_ =	strace $0x90000054  }
0x44: {  	_ =	strace $0x80000055  }
0x45: {  	[hbm4b:s10+s2] =	stream.linear.scatter [tilespmem:s8], [sflag:$0x3], $0x4000, $0x200038;
	[tilespmem:$0x8100] =	vst v63  }
0x46: {  	_ =	strace $0x90000055  }
0x47: {  	_ =	strace $0x80000053  }
0x48: {  	_ =	swait.ge [sflag:s11], $0x80  }
0x49: {  	[sflag:s11] =	ssyncset.done $0x0  }
0x4a: {  	[sflag:s11] =	ssyncadd.s32 $0xFFFFFF80  }
0x4b: {  	_ =	strace $0x90000053  }
0x4c: {  	_ =	strace $0x80000054  }
0x4d: {  	[tilespmem:s12], [sflag:$0x5] =	stream.indirect.gather [hbm4b:s7+s5], $0x80, s5, s5, $0x2000b8;
	[tilespmem:$0x8100] =	vst v63  }
0x4e: {  	_ =	swait.ge [sflag:s9], $0x4000  }
0x4f: {  	[sflag:s9] =	ssyncset.done $0x0  }
0x50: {  	[sflag:s9] =	ssyncadd.s32 $0xFFFFC000  }
0x51: {  	_ =	strace $0x90000054  }
0x52: {  	_ =	strace $0x80000055  }
0x53: {  	[hbm4b:s13+s2] =	stream.linear.scatter [tilespmem:s12], [sflag:$0x4], $0x4000, $0x200038;
	[tilespmem:$0x8100] =	vst v63  }
0x54: {  	_ =	strace $0x90000055  }
0x55: {  	_ =	strace $0x80000056  }
0x56: {  	_ =	swait.ge [sflag:s14], $0x4000  }
0x57: {  	[sflag:s14] =	ssyncset.done $0x0  }
0x58: {  	[sflag:s14] =	ssyncadd.s32 $0xFFFFC000  }
.Ltmp1:
0x59: {  	_ =	strace $0x90000056;
	(pc) =	sbr.rel @p0 .LBB2_1-.Ltmp1, $4  }
0x5a: {  	_ =	strace $0x80000057  }
0x5b: {  	_ =	swait.ge [sflag:s15], $0x4000  }
0x5c: {  	[sflag:s15] =	ssyncset.done $0x0  }
0x5d: {  	[sflag:s15] =	ssyncadd.s32 $0xFFFFC000  }
.LBB2_2:
0x5e: {  	_ =	strace $0x90000057  }
0x5f: {  	_ =	sfence.sel $0x180000  }
0x60: {  	[bflag:$0x0] =	sbarrier.arrive $0xFFFF  }
0x61: {  	p0 =	sne.s32 s1, $0x0;
	_ =	strace $0x90000050  }
0x62: {  	s0 =	sadd.s32 @!p0 $0x100000, s0;
	[bflag:$0x2] =	sbarrier.arrive $0xFFFF  }
0x63: {  	[sflag:s0] =	ssyncadd.tile.s32 @!p0 $0x1;
	_ =	shalt  }
.Lfunc_end2:
_tile_overlayer_lowered:
.L_overlay_start_2:
0x64: {  	(tag) =	ssettag $0x2  }
0x65: {  	s0 =	rddreg [dreg:$0x0];
	s2 =	stileid.u32  }
0x66: {  	s1 =	rddreg [dreg:$0x1];
	p0 =	sne.s32 s2, $0x0  }
0x67: {  	s3 =	rddreg [dreg:$0x2];
	[bflag:$0x3] =	sbarrier.arrive $0xFFFF;
	s2 =	simm.s32 @!p0 $0x1C01  }
0x68: {  	[timem:s3], [sflag:s2] =	dma.local @!p0 [hbm:s0], s1  }
0x69: {  	s0 =	simm.s32 @!p0 $0x1  }
0x6a: {  	_ =	swait.ge @!p0 [sflag:s0], s1  }
0x6b: {  	s1 =	ssub.s32 @!p0 $0x0, s1;
	[sflag:s0] =	ssyncset.done @!p0 $0x0  }
0x6c: {  	[sflag:s0] =	ssyncadd.s32 @!p0 s1  }
0x6d: {  	[bflag:$0x3] =	sbarrier.arrive $0xFFFF  }
0x6e: {  	_ =	shalt  }

// kernel: kernel.7.cloned.1.call-start
scs
__scs_entry_jumppad:
0x0: {  	(pc) =	sbr.rel $0x88, $3  }
0x1: {  	(tag) =	ssettag $0x0;
	lr =	simm.s32 $0x1  }
0x2: {  	[smem:$0x3F8E] =	sst lr;
	_ =	strace $0xD0000000  }
0x3: {  	_ = 	snop  }
0x4: {  	_ = 	snop  }
0x5: {  	_ = 	snop  }
0x6: {  	_ = 	snop  }
0x7: {  	_ = 	snop  }
__scs_overlays_trampoline_lowered:
0x8: {  	[smem:$0x3F9D] =	sst s0  }
0x9: {  	[smem:$0x3F9E] =	sst s1  }
0xa: {  	[smem:$0x3F9F] =	sst s2  }
0xb: {  	[smem:$0x3FA0] =	sst s3  }
0xc: {  	[smem:$0x3FA1] =	sst s4  }
0xd: {  	[smem:$0x3FA2] =	sst s5  }
0xe: {  	[smem:$0x3FA3] =	sst s6  }
0xf: {  	[smem:$0x3FA4] =	sst s7  }
0x10: {  	[smem:$0x3FA5] =	sst s8  }
0x11: {  	[smem:$0x3FA6] =	sst s9;
	s0 =	simm.s32 @!p0 $0x0  }
0x12: {  	s1 =	sld [smem:$0x3F8C];
	s0 =	simm.s32 @p0 $0x1  }
0x13: {  	[smem:$0x3FA7] =	sst s0;
	s0 =	simm.s32 @!p1 $0x0  }
0x14: {  	s2 =	sld [smem:$0x3F8B];
	s0 =	simm.s32 @p1 $0x1  }
0x15: {  	[smem:$0x3FA8] =	sst s0;
	s0 =	simm.s32 @!p2 $0x0  }
0x16: {  	s3 =	sld [smem:$0x3FDB];
	s0 =	simm.s32 @p2 $0x1  }
0x17: {  	s4 =	simm.s32 $0x1BF5;
	[smem:$0x3FAA] =	sst s0  }
0x18: {  	s0 =	sld [smem:$0x3F8D];
	_ =	swait.ge [sflag:s4], $0x0  }
0x19: {  	s7 =	sld [smem:$0x3F8E]  }
0x1a: {  	s8 =	sadd.s32 $0xFFFFE003, lr  }
0x1b: {  	s9 =	sadd.s32 $0xFFFFFEF7, lr;
	s5 =	simm.s32 $0xFFFFFFFF;
	p2 =	slt.u32 s8, $0xFFFFF086  }
0x1c: {  	p1 =	slt.u32 s9, $0xF7A;
	s5 =	simm.s32 @!p2 $0x0  }
0x1d: {  	s5 =	simm.s32 @p1 $0x1;
	p0 =	seq.s32 s7, s2  }
0x1e: {  	s7 =	smul.u32 @!p0 $0xF7A, s2;
	p2 =	seq.s32 @!p0 s5, $0x0  }
0x1f: {  	s9 =	smul.u32 $0xF7A, s1;
	s8 =	simm.s32 @!p0 $0x1BF5;
	p2 =	por !p2, p0  }
0x20: {  	[sflag:s8] =	ssyncset.s32 @!p0 $0xFFFFF086;
	s6 =	sadd.s32 @!p0 s3, s7;
	s7 =	simm.s32 @!p0 $0x108  }
0x21: {  	s3 =	sadd.s32 s3, s9;
	s6 =	sadd.s32 @!p0 $0x88, s6;
	s7 =	simm.s32 @p2 $0x1082  }
0x22: {  	[simem:s7], [sflag:s8] =	dma.local @!p0 [hbm:s6], $0xF7A  }
0x23: {  	s9 =	sor.u32 $0xD0000000, s2;
	s6 =	simm.s32 $0x108;
	_ =	swait.ge @!p0 [sflag:s8], $0x0  }
0x24: {  	s3 =	sadd.s32 $0x88, s3;
	s6 =	simm.s32 @!p1 $0x1082;
	[sflag:s4] =	ssyncset.s32 $0xFFFFF086  }
0x25: {  	[simem:s6], [sflag:s4] =	dma.local [hbm:s3], $0xF7A  }
0x26: {  	[smem:$0x3F8E] =	sst s1;
	(tag) =	ssettag s2;
	_ =	strace s9  }
0x27: {  	s1 =	sld [smem:$0x3F9E]  }
0x28: {  	s2 =	sld [smem:$0x3F9F]  }
0x29: {  	s4 =	sld [smem:$0x3FA1]  }
0x2a: {  	p0 =	seq.s32 s5, $0x0;
	s5 =	sld [smem:$0x3FA2]  }
0x2b: {  	s6 =	sld [smem:$0x3FA3]  }
0x2c: {  	s7 =	sld [smem:$0x3FA4]  }
0x2d: {  	s3 =	simm.s32 $0x108;
	s8 =	sld [smem:$0x3FA5]  }
0x2e: {  	s3 =	simm.s32 @!p0 $0x1082;
	s9 =	sld [smem:$0x3FA6]  }
0x2f: {  	lr =	sadd.s32 s0, s3;
	s0 =	sld [smem:$0x3F9D]  }
0x30: {  	s3 =	sld [smem:$0x3FA0]  }
0x31: {  	[smem:$0x3FA9] =	sst s10  }
0x32: {  	s10 =	sld [smem:$0x3FA7];
	_ =	sdelay $0x3  }
0x33: {  	p0 =	seq.s32 s10, $0x1;
	s10 =	sld [smem:$0x3FA9];
	_ =	sdelay $0x3  }
0x34: {  	[smem:$0x3FA9] =	sst s10  }
0x35: {  	s10 =	sld [smem:$0x3FA8];
	_ =	sdelay $0x3  }
0x36: {  	p1 =	seq.s32 s10, $0x1;
	s10 =	sld [smem:$0x3FA9];
	_ =	sdelay $0x3  }
0x37: {  	[smem:$0x3FA9] =	sst s10  }
0x38: {  	s10 =	sld [smem:$0x3FAA]  }
0x39: {  	_ = 	snop;
	(pc) =	sbr.ind lr, $3  }
0x3a: {  	_ = 	snop  }
0x3b: {  	_ = 	snop  }
0x3c: {  	p2 =	seq.s32 s10, $0x1;
	s10 =	sld [smem:$0x3FA9]  }
0x3d: {  	_ =	shalt  }
0x3e: {  	_ =	shalt  }
0x3f: {  	_ =	shalt  }
0x40: {  	_ =	shalt  }
0x41: {  	_ =	shalt  }
0x42: {  	_ =	shalt  }
0x43: {  	_ =	shalt  }
0x44: {  	_ =	shalt  }
0x45: {  	_ =	shalt  }
0x46: {  	_ =	shalt  }
0x47: {  	_ =	shalt  }
0x48: {  	_ =	shalt  }
0x49: {  	_ =	shalt  }
0x4a: {  	_ =	shalt  }
0x4b: {  	_ =	shalt  }
0x4c: {  	_ =	shalt  }
0x4d: {  	_ =	shalt  }
0x4e: {  	_ =	shalt  }
0x4f: {  	_ =	shalt  }
0x50: {  	_ =	shalt  }
0x51: {  	_ =	shalt  }
0x52: {  	_ =	shalt  }
0x53: {  	_ =	shalt  }
0x54: {  	_ =	shalt  }
0x55: {  	_ =	shalt  }
0x56: {  	_ =	shalt  }
0x57: {  	_ =	shalt  }
0x58: {  	_ =	shalt  }
0x59: {  	_ =	shalt  }
0x5a: {  	_ =	shalt  }
0x5b: {  	_ =	shalt  }
0x5c: {  	_ =	shalt  }
0x5d: {  	_ =	shalt  }
0x5e: {  	_ =	shalt  }
0x5f: {  	_ =	shalt  }
0x60: {  	_ =	shalt  }
0x61: {  	_ =	shalt  }
0x62: {  	_ =	shalt  }
0x63: {  	_ =	shalt  }
0x64: {  	_ =	shalt  }
0x65: {  	_ =	shalt  }
0x66: {  	_ =	shalt  }
0x67: {  	_ =	shalt  }
0x68: {  	_ =	shalt  }
0x69: {  	_ =	shalt  }
0x6a: {  	_ =	shalt  }
0x6b: {  	_ =	shalt  }
0x6c: {  	_ =	shalt  }
0x6d: {  	_ =	shalt  }
0x6e: {  	_ =	shalt  }
0x6f: {  	_ =	shalt  }
0x70: {  	_ =	shalt  }
0x71: {  	_ =	shalt  }
0x72: {  	_ =	shalt  }
0x73: {  	_ =	shalt  }
0x74: {  	_ =	shalt  }
0x75: {  	_ =	shalt  }
0x76: {  	_ =	shalt  }
0x77: {  	_ =	shalt  }
0x78: {  	_ =	shalt  }
0x79: {  	_ =	shalt  }
0x7a: {  	_ =	shalt  }
0x7b: {  	_ =	shalt  }
0x7c: {  	_ =	shalt  }
0x7d: {  	_ =	shalt  }
0x7e: {  	_ =	shalt  }
0x7f: {  	_ =	shalt  }
0x80: {  	_ =	shalt  }
0x81: {  	_ =	shalt  }
0x82: {  	_ =	shalt  }
0x83: {  	_ =	shalt  }
0x84: {  	_ =	shalt  }
0x85: {  	_ =	shalt  }
0x86: {  	_ =	shalt  }
0x87: {  	_ =	shalt  }
.Lfunc_end0:
.L_simem_size_0:
called_computation_lowered:
.L_overlay_start_0:
0x88: {  	s2 =	sld [smem:$0x3FD9]  }
0x89: {  	s3 =	sld [smem:$0x3FFE];
	_ =	sdelay $0x1  }
0x8a: {  	s1 =	srdreg.scid  }
0x8b: {  	s0 =	sand.u32 $0x1, s1  }
0x8c: {  	s17 =	sshll.u32 s0, $0xA;
	s2 =	sadd.s32 s3, s2  }
0x8d: {  	s2 =	sadd.s32 s2, s17  }
0x8e: {  	[smem:$0x3FB5] =	sst s2  }
0x8f: {  	_ = 	snop  }
0x90: {  	s2 =	sld [smem:$0x3FC9];
	(tm) =	ssettm $0x1  }
0x91: {  	s18 =	sld [smem:$0x3FFB];
	_ =	sdelay $0x3  }
0x92: {  	_ =	strace s18  }
0x93: {  	s3 =	sld [smem:$0x3FFC];
	_ =	sdelay $0x3  }
0x94: {  	_ =	strace s3  }
0x95: {  	s3 =	sld [smem:$0x3FFD];
	_ =	sdelay $0x3  }
0x96: {  	_ =	strace s3  }
0x97: {  	_ =	strace $0x8FFFFFFF  }
0x98: {  	s19 =	sld [smem:$0x3FDB];
	_ =	sdelay $0x1  }
0x99: {  	s4 =	simm.s32 $_scs_section_size  }
0x9a: {  	s5 =	simm.s32 $_size__tile_overlayer_lowered;
	s6 =	simm.s32 $_tile_overlayer_lowered  }
0x9b: {  	s22 =	simm.s32 $0x1BFF;
	s21 =	sshll.u32 s6, $0x1;
	s3 =	sadd.s32 s4, s19  }
0x9c: {  	s7 =	simm.s32 $0x0;
	s20 =	sshll.u32 s5, $0x1;
	s5 =	sadd.s32 s21, s3  }
0x9d: {  	[timem:s7], [sflag:s22] =	dma.local [hbm:s5], s20  }
0x9e: {  	_ =	swait.ge [sflag:s22], s20  }
0x9f: {  	s4 =	ssub.s32 $0x0, s20;
	[sflag:s22] =	ssyncset.done $0x0  }
0xa0: {  	[sflag:s22] =	ssyncadd.s32 s4;
	_ =	sdelay $0x1  }
0xa1: {  	s23 =	simm.s32 $0x1B8B  }
0xa2: {  	_ =	swait.ge [sflag:s23], $0x1  }
0xa3: {  	[sflag:s23] =	ssyncset.done $0x0  }
0xa4: {  	s25 =	simm.s32 $0x1B8E;
	s24 =	sld [smem:$0x3FFE];
	[sflag:s23] =	ssyncadd.s32 $0xFFFFFFFF  }
0xa5: {  	s26 =	simm.s32 $execute0_lowered;
	[smem:$0x3FD2] =	sst s25  }
0xa6: {  	s5 =	sshll.u32 s26, $0x1;
	_ =	strace $0x80000046;
	[dreg:$0x1] =	wrdreg $0xFFFFFFFF  }
0xa7: {  	s28 =	simm.s32 $_size_execute0_lowered;
	s3 =	sadd.s32 s3, s5;
	[dreg:$0x0] =	wrdreg $0x0  }
0xa8: {  	s5 =	sshll.u32 s28, $0x1;
	[dreg:$0x2] =	wrdreg s3  }
0xa9: {  	[dreg:$0x3] =	wrdreg s5  }
0xaa: {  	[dreg:$0x4] =	wrdreg $0xC0  }
0xab: {  	_ =	task [dreg:s7], $0x5FFFF  }
0xac: {  	[dreg:$0x1] =	wrdreg $0xFFFFFFFF  }
0xad: {  	[dreg:$0x0] =	wrdreg $0x60  }
0xae: {  	[dreg:$0x2] =	wrdreg s2  }
0xaf: {  	[dreg:$0x3] =	wrdreg s24  }
0xb0: {  	[dreg:$0x4] =	wrdreg $0x9  }
0xb1: {  	_ =	task.clear_ibuf [dreg:s7], $0x5FFFF;
	_ =	strace $0x90000046  }
0xb2: {  	s29 =	simm.s32 $0x9;
	_ =	strace $0x8000004E  }
0xb3: {  	_ =	swait.ge [sflag:s29], $0x1  }
0xb4: {  	[sflag:s29] =	ssyncadd.s32 $0xFFFFFFFF  }
0xb5: {  	_ =	strace $0x9000004E  }
0xb6: {  	_ =	sfence  }
0xb7: {  	s30 =	sld [smem:$0x0];
	_ =	sdelay $0x2  }
0xb8: {  	s31 =	sshll.u32 s1, $0xD;
	s1 =	sshrl.u32 s1, $0x2  }
0xb9: {  	s3 =	sand.u32 $0x4000, s31;
	s1 =	sadd.s32 s1, s30  }
0xba: {  	s0 =	sor.u32 s3, s0;
	s1 =	sshll.u32 s1, $0x11  }
0xbb: {  	s0 =	sor.u32 s1, s0  }
0xbc: {  	s0 =	sadd.s32 $0x8F2B, s0  }
0xbd: {  	[sflag:s0] =	ssyncadd.remote.s32 $0x1  }
0xbe: {  	_ =	sfence.sel $0xFFFF  }
0xbf: {  	[dreg:$0x0] =	wrdreg $0xFFFFFFFF;
	(pc) =	sbr.abs _section_cstart, $3  }
0xc0: {  	[dreg:$0x1] =	wrdreg $0xFFFFFFFF  }
0xc1: {  	_ =	task.clear_ibuf [dreg:s7], $0x2FFFF;
	_ =	strace $0x9FFFFFFF  }
0xc2: {  	(tm) =	ssettm $0x7FFFFFFF  }
0xc3: {  	_ =	shalt  }
tec
execute0_lowered:
.L_overlay_start_1:
0x0: {  	(tag) =	ssettag $0x1  }
0x1: {  	s1 =	rddreg [dreg:$0x0]  }
0x2: {  	s3 =	rddreg [dreg:$0x1]  }
0x3: {  	s0 =	rddreg [dreg:$0x2];
	s2 =	simm.s32 $0x0;
	s4 =	srdreg.scid  }
0x4: {  	s11 =	simm.s32 $0x10000;
	s12 =	simm.s32 $0x5;
	s13 =	simm.s32 $0x0  }
0x5: {  	[smem:$0x7FF] =	sst s2;
	s6 =	sand.u32 $0x1, s4;
	s4 =	sadd.s32 $0x3400, s3  }
0x6: {  	s5 =	sadd.s32 $0x4400, s3;
	s3 =	stileid.u32;
	s7 =	ssub.s32 $0x2, s6  }
0x7: {  	_ =	strace $0x80000047;
	s6 =	sshll.u32 s6, $0x4;
	s8 =	sshrl.u32 s7, $0x1  }
0x8: {  	s31 =	sshll.u32 s3, $0x5;
	s6 =	sor.u32 s3, s6;
	s8 =	ssub.s32 s7, s8  }
0x9: {  	s9 =	sshll.u32 s6, $0x1;
	s10 =	sshll.u32 s6, $0x5;
	s7 =	sand.u32 $0x60, s31  }
0xa: {  	v2 =	vlaneseq.u32;
	s6 =	sshll.u32 s6, $0xF;
	s10 =	sand.u32 $0x380, s10;
	s7 =	sadd.s32 s4, s7  }
0xb: {  	vm0 =	vmmov $0xffff;
	v1 =	vshrl.u32 v2, $0x3;
	[dreg:$0x3] =	wrdreg s9;
	s6 =	sadd.s32 s1, s6;
	s8 =	smax.u32 s8, $0x1  }
0xc: {  	v0 =	vand.u32 $0x7, v2;
	v2 =	vor.u32 $0x8, v2;
	v1 =	vmul.u32 $0x8, v1;
	s9 =	simm.s32 $0x800;
	s7 =	sadd.s32 s10, s7;
	s10 =	simm.s32 $0x2000  }
.LBB2_1:
0xd: {  	_ =	strace $0x80000048;
	s14 =	simm.s32 $0x8;
	s15 =	simm.s32 $0x0  }
0xe: {  	[tilespmem:s2], [sflag:$0x1] =	stream.strided.gather [hbm4b:s6+s9], $0x8000, s10, s9, $0x200038;
	[tilespmem:$0x10100] =	vst v63  }
0xf: {  	s17 =	simm.s32 $0x0;
	s16 =	simm.s32 $0x0;
	s18 =	simm.s32 $0x1  }
0x10: {  	[tilespmem:s11], [sflag:$0x3] =	stream.linear.gather [hbm4b:s7+s2], $0x80, $0x200038;
	[tilespmem:$0x10100] =	vst v63  }
0x11: {  	s19 =	simm.s32 $0x0;
	s22 =	simm.s32 $0x1;
	_ =	strace $0x90000048  }
.LBB2_2:
0x12: {  	s20 =	smov.u32 s15;
	s15 =	sadd.s32 $0x1, s15  }
0x13: {  	s21 =	simm.s32 $0x1;
	p0 =	seq.s32 s15, $0x4  }
0x14: {  	s21 =	simm.s32 @!p0 $0x0  }
0x15: {  	s23 =	smov.u32 s17;
	s17 =	sadd.s32 s21, s17  }
0x16: {  	p1 =	seq.s32 s17, $0x2  }
0x17: {  	s15 =	simm.s32 @p0 $0x0;
	s17 =	simm.s32 @p1 $0x0  }
0x18: {  	p6 =	sne.s32 s20, s15;
	p5 =	sne.s32 s23, s17  }
0x19: {  	p1 =	seq.s32 s14, $0x1;
	p0 =	por p6, p5  }
0x1a: {  	s20 =	rddreg [dreg:$0x3];
	p2 =	por !p0, p1  }
0x1b: {  	s21 =	sadd.s32 @!p2 s20, s17;
	s20 =	smov.u32 s22  }
0x1c: {  	s23 =	sshll.u32 @!p2 s15, $0xB;
	_ =	strace @!p2 $0x80000049;
	s22 =	sshll.u32 @!p2 s21, $0x11  }
0x1d: {  	s25 =	simm.s32 @!p2 $0x800;
	s26 =	simm.s32 @!p2 $0x2000;
	s22 =	sadd.s32 @!p2 s23, s22  }
0x1e: {  	s21 =	sshll.u32 @!p2 s21, $0x7;
	s23 =	sand.u32 @!p2 $0x1, s20;
	s22 =	sshrl.u32 @!p2 s22, $0x3  }
0x1f: {  	s24 =	sshll.u32 @!p2 s23, $0xF;
	s23 =	sadd.s32 @!p2 $0x1, s23;
	s22 =	sadd.s32 @!p2 s1, s22  }
0x20: {  	[tilespmem:s24], [sflag:s23] =	stream.strided.gather @!p2 [hbm4b:s22+s25], $0x8000, s26, s25, $0x200038;
	[tilespmem:$0x10100] =	vst v63  }
0x21: {  	s22 =	sshll.u32 @!p2 s15, $0xD;
	s23 =	sand.u32 @!p2 $0xFFFFFC00, s21  }
0x22: {  	s21 =	sand.u32 @!p2 $0x380, s21;
	s24 =	simm.s32 @!p2 $0x0;
	s22 =	sadd.s32 @!p2 s22, s23  }
0x23: {  	s23 =	sand.u32 @!p2 $0x1, s18;
	_ =	strace @!p2 $0x90000049;
	s21 =	sor.u32 @!p2 s21, s22  }
0x24: {  	s22 =	sshll.u32 @!p2 s23, $0x7;
	_ =	strace @!p2 $0x8000004A;
	s21 =	sshrl.u32 @!p2 s21, $0x3  }
0x25: {  	s23 =	sadd.s32 @!p2 $0x3, s23;
	s22 =	sor.u32 @!p2 $0x10000, s22;
	s21 =	sadd.s32 @!p2 s4, s21  }
0x26: {  	[tilespmem:s22], [sflag:s23] =	stream.linear.gather @!p2 [hbm4b:s21+s24], $0x80, $0x200038;
	[tilespmem:$0x10100] =	vst v63  }
0x27: {  	s30 =	sand.u32 $0x1, s19;
	_ =	strace @!p2 $0x9000004A  }
0x28: {  	s21 =	sadd.s32 $0x1, s30;
	_ =	strace $0x8000004B  }
0x29: {  	_ =	swait.ge [sflag:s21], $0x8000  }
0x2a: {  	[sflag:s21] =	ssyncset.done $0x0  }
0x2b: {  	[sflag:s21] =	ssyncadd.s32 $0xFFFF8000  }
0x2c: {  	s31 =	sand.u32 $0x1, s16;
	_ =	strace $0x9000004B  }
0x2d: {  	s21 =	sadd.s32 $0x3, s31;
	_ =	strace $0x8000004C  }
0x2e: {  	_ =	swait.ge [sflag:s21], $0x80  }
0x2f: {  	[sflag:s21] =	ssyncset.done $0x0  }
0x30: {  	[sflag:s21] =	ssyncadd.s32 $0xFFFFFF80  }
0x31: {  	s22 =	sshll.u32 s16, $0x7;
	_ =	strace $0x9000004C  }
0x32: {  	s22 =	sand.u32 $0x80, s22;
	_ =	strace $0x8000004D  }
0x33: {  	v3 =	vld [tilespmem:s22+$0x10000];
	_ =	sdelay $0x4  }
0x34: {  	v4 =	vshll.u32 v3, $0x1  }
0x35: {  	v3 =	vand.u32 $0x7, v3;
	v4 =	vand.u32 $0xFFFFFFF0, v4  }
0x36: {  	v3 =	vor.u32 v3, v4  }
0x37: {  	v4 =	vperm.xlane v3, v0;
	_ =	sdelay $0x1  }
0x38: {  	v3 =	vperm.xlane v3, v2;
	v4 =	vadd.s32 v1, v4;
	_ =	sdelay $0x1  }
0x39: {  	v3 =	vadd.s32 v1, v3  }
0x3a: {  	s23 =	sshll.u32 s19, $0xF  }
0x3b: {  	s21 =	sand.u32 $0x8000, s23  }
0x3c: {  	[hbm4b:s5+s2] =	stream.indirect_vreg.scatter [tilespmem:s21], [sflag:$0x5], $0x80, v4, vm0, $0x2000b8;
	[tilespmem:$0x10100] =	vst v63  }
0x3d: {  	s24 =	sor.u32 $0x800, s21  }
0x3e: {  	[hbm4b:s5+s2] =	stream.indirect_vreg.scatter [tilespmem:s24], [sflag:$0x5], $0x80, v3, vm0, $0x2000b8;
	[tilespmem:$0x10100] =	vst v63  }
0x3f: {  	v3 =	vld [tilespmem:s22+$0x10010];
	_ =	sdelay $0x4  }
0x40: {  	v57 =	vshll.u32 v3, $0x1  }
0x41: {  	v3 =	vand.u32 $0x7, v3;
	v4 =	vand.u32 $0xFFFFFFF0, v57  }
0x42: {  	v3 =	vor.u32 v3, v4  }
0x43: {  	v4 =	vperm.xlane v3, v0;
	_ =	sdelay $0x1  }
0x44: {  	v3 =	vperm.xlane v3, v2;
	v4 =	vadd.s32 v1, v4;
	_ =	sdelay $0x1  }
0x45: {  	v3 =	vadd.s32 v1, v3;
	_ =	sdelay $0x1  }
0x46: {  	s25 =	sor.u32 $0x1000, s21  }
0x47: {  	[hbm4b:s5+s2] =	stream.indirect_vreg.scatter [tilespmem:s25], [sflag:$0x5], $0x80, v4, vm0, $0x2000b8;
	[tilespmem:$0x10100] =	vst v63  }
0x48: {  	s26 =	sor.u32 $0x1800, s21  }
0x49: {  	[hbm4b:s5+s2] =	stream.indirect_vreg.scatter [tilespmem:s26], [sflag:$0x5], $0x80, v3, vm0, $0x2000b8;
	[tilespmem:$0x10100] =	vst v63  }
0x4a: {  	v3 =	vld [tilespmem:s22+$0x10020];
	_ =	sdelay $0x4  }
0x4b: {  	v58 =	vshll.u32 v3, $0x1  }
0x4c: {  	v3 =	vand.u32 $0x7, v3;
	v4 =	vand.u32 $0xFFFFFFF0, v58  }
0x4d: {  	v3 =	vor.u32 v3, v4  }
0x4e: {  	v4 =	vperm.xlane v3, v0;
	_ =	sdelay $0x1  }
0x4f: {  	v3 =	vperm.xlane v3, v2;
	v4 =	vadd.s32 v1, v4;
	_ =	sdelay $0x1  }
0x50: {  	v3 =	vadd.s32 v1, v3;
	_ =	sdelay $0x1  }
0x51: {  	s28 =	sor.u32 $0x2000, s21  }
0x52: {  	[hbm4b:s5+s2] =	stream.indirect_vreg.scatter [tilespmem:s28], [sflag:$0x5], $0x80, v4, vm0, $0x2000b8;
	[tilespmem:$0x10100] =	vst v63  }
0x53: {  	s29 =	sor.u32 $0x2800, s21  }
0x54: {  	[hbm4b:s5+s2] =	stream.indirect_vreg.scatter [tilespmem:s29], [sflag:$0x5], $0x80, v3, vm0, $0x2000b8;
	[tilespmem:$0x10100] =	vst v63  }
0x55: {  	v3 =	vld [tilespmem:s22+$0x10030];
	_ =	sdelay $0x4  }
0x56: {  	v59 =	vshll.u32 v3, $0x1  }
0x57: {  	v3 =	vand.u32 $0x7, v3;
	v4 =	vand.u32 $0xFFFFFFF0, v59  }
0x58: {  	v3 =	vor.u32 v3, v4  }
0x59: {  	v4 =	vperm.xlane v3, v0;
	_ =	sdelay $0x1  }
0x5a: {  	v3 =	vperm.xlane v3, v2;
	v4 =	vadd.s32 v1, v4;
	_ =	sdelay $0x1  }
0x5b: {  	v3 =	vadd.s32 v1, v3;
	_ =	sdelay $0x1  }
0x5c: {  	s30 =	sor.u32 $0x3000, s21  }
0x5d: {  	[hbm4b:s5+s2] =	stream.indirect_vreg.scatter [tilespmem:s30], [sflag:$0x5], $0x80, v4, vm0, $0x2000b8;
	[tilespmem:$0x10100] =	vst v63  }
0x5e: {  	s31 =	sor.u32 $0x3800, s21  }
0x5f: {  	[hbm4b:s5+s2] =	stream.indirect_vreg.scatter [tilespmem:s31], [sflag:$0x5], $0x80, v3, vm0, $0x2000b8;
	[tilespmem:$0x10100] =	vst v63  }
0x60: {  	v3 =	vld [tilespmem:s22+$0x10040];
	_ =	sdelay $0x4  }
0x61: {  	v60 =	vshll.u32 v3, $0x1  }
0x62: {  	v3 =	vand.u32 $0x7, v3;
	v4 =	vand.u32 $0xFFFFFFF0, v60  }
0x63: {  	v3 =	vor.u32 v3, v4  }
0x64: {  	v4 =	vperm.xlane v3, v0;
	_ =	sdelay $0x1  }
0x65: {  	v3 =	vperm.xlane v3, v2;
	v4 =	vadd.s32 v1, v4;
	_ =	sdelay $0x1  }
0x66: {  	v3 =	vadd.s32 v1, v3;
	_ =	sdelay $0x1  }
0x67: {  	s24 =	sor.u32 $0x4000, s21  }
0x68: {  	[hbm4b:s5+s2] =	stream.indirect_vreg.scatter [tilespmem:s24], [sflag:$0x5], $0x80, v4, vm0, $0x2000b8;
	[tilespmem:$0x10100] =	vst v63  }
0x69: {  	s25 =	sor.u32 $0x4800, s21  }
0x6a: {  	[hbm4b:s5+s2] =	stream.indirect_vreg.scatter [tilespmem:s25], [sflag:$0x5], $0x80, v3, vm0, $0x2000b8;
	[tilespmem:$0x10100] =	vst v63  }
0x6b: {  	v3 =	vld [tilespmem:s22+$0x10050];
	_ =	sdelay $0x4  }
0x6c: {  	v61 =	vshll.u32 v3, $0x1  }
0x6d: {  	v3 =	vand.u32 $0x7, v3;
	v4 =	vand.u32 $0xFFFFFFF0, v61  }
0x6e: {  	v3 =	vor.u32 v3, v4  }
0x6f: {  	v4 =	vperm.xlane v3, v0;
	_ =	sdelay $0x1  }
0x70: {  	v3 =	vperm.xlane v3, v2;
	v4 =	vadd.s32 v1, v4;
	_ =	sdelay $0x1  }
0x71: {  	v3 =	vadd.s32 v1, v3;
	_ =	sdelay $0x1  }
0x72: {  	s26 =	sor.u32 $0x5000, s21  }
0x73: {  	[hbm4b:s5+s2] =	stream.indirect_vreg.scatter [tilespmem:s26], [sflag:$0x5], $0x80, v4, vm0, $0x2000b8;
	[tilespmem:$0x10100] =	vst v63  }
0x74: {  	s28 =	sor.u32 $0x5800, s21  }
0x75: {  	[hbm4b:s5+s2] =	stream.indirect_vreg.scatter [tilespmem:s28], [sflag:$0x5], $0x80, v3, vm0, $0x2000b8;
	[tilespmem:$0x10100] =	vst v63  }
0x76: {  	v3 =	vld [tilespmem:s22+$0x10060];
	_ =	sdelay $0x4  }
0x77: {  	v62 =	vshll.u32 v3, $0x1  }
0x78: {  	v3 =	vand.u32 $0x7, v3;
	v4 =	vand.u32 $0xFFFFFFF0, v62  }
0x79: {  	v3 =	vor.u32 v3, v4  }
0x7a: {  	v4 =	vperm.xlane v3, v0;
	_ =	sdelay $0x1  }
0x7b: {  	v3 =	vperm.xlane v3, v2;
	v4 =	vadd.s32 v1, v4;
	_ =	sdelay $0x1  }
0x7c: {  	v3 =	vadd.s32 v1, v3;
	_ =	sdelay $0x1  }
0x7d: {  	s29 =	sor.u32 $0x6000, s21  }
0x7e: {  	[hbm4b:s5+s2] =	stream.indirect_vreg.scatter [tilespmem:s29], [sflag:$0x5], $0x80, v4, vm0, $0x2000b8;
	[tilespmem:$0x10100] =	vst v63  }
0x7f: {  	s30 =	sor.u32 $0x6800, s21  }
0x80: {  	[hbm4b:s5+s2] =	stream.indirect_vreg.scatter [tilespmem:s30], [sflag:$0x5], $0x80, v3, vm0, $0x2000b8;
	[tilespmem:$0x10100] =	vst v63  }
0x81: {  	v3 =	vld [tilespmem:s22+$0x10070];
	_ =	sdelay $0x4  }
0x82: {  	v63 =	vshll.u32 v3, $0x1  }
0x83: {  	v3 =	vand.u32 $0x7, v3;
	v4 =	vand.u32 $0xFFFFFFF0, v63  }
0x84: {  	v3 =	vor.u32 v3, v4  }
0x85: {  	v4 =	vperm.xlane v3, v0;
	_ =	sdelay $0x1  }
0x86: {  	v3 =	vperm.xlane v3, v2;
	v4 =	vadd.s32 v1, v4;
	_ =	sdelay $0x1  }
0x87: {  	s22 =	sadd.s32 @!p2 $0x1, s20;
	v3 =	vadd.s32 v1, v3  }
0x88: {  	s14 =	sadd.s32 $0xFFFFFFFF, s14;
	p0 =	por p1, p0;
	s22 =	smov.u32 @p2 s20  }
0x89: {  	s31 =	sor.u32 $0x7000, s21;
	s22 =	smov.u32 @p1 s20;
	s20 =	simm.s32 $0x1  }
0x8a: {  	[hbm4b:s5+s2] =	stream.indirect_vreg.scatter [tilespmem:s31], [sflag:$0x5], $0x80, v4, vm0, $0x2000b8;
	[tilespmem:$0x10100] =	vst v63  }
0x8b: {  	s21 =	sor.u32 $0x7800, s21;
	s20 =	simm.s32 @!p0 $0x0;
	p0 =	sne.s32 s14, $0x0  }
0x8c: {  	[hbm4b:s5+s2] =	stream.indirect_vreg.scatter [tilespmem:s21], [sflag:$0x5], $0x80, v3, vm0, $0x2000b8;
	[tilespmem:$0x10100] =	vst v63  }
.Ltmp0:
0x8d: {  	s23 =	simm.s32 @!p2 $0x1;
	(pc) =	sbr.rel @p0 .LBB2_2-.Ltmp0, $4  }
0x8e: {  	s23 =	simm.s32 @p2 $0x0;
	_ =	swait.ge [sflag:s12], $0x8000  }
0x8f: {  	s23 =	simm.s32 @p1 $0x0;
	[sflag:s12] =	ssyncset.done $0x0  }
0x90: {  	s18 =	sadd.s32 s18, s23;
	[sflag:s12] =	ssyncadd.s32 $0xFFFF8000  }
0x91: {  	s19 =	sadd.s32 s20, s19;
	s16 =	sadd.s32 s20, s16;
	_ =	strace $0x9000004D  }
0x92: {  	s13 =	sadd.s32 $0x1, s13  }
0x93: {  	p0 =	sne.s32 s13, s8  }
.Ltmp1:
0x94: {  	_ = 	snop;
	(pc) =	sbr.rel @p0 .LBB2_1-.Ltmp1, $1  }
0x95: {  	_ =	sdelay $0x3  }
0x96: {  	_ =	sfence.sel $0x180000  }
0x97: {  	[bflag:$0x0] =	sbarrier.arrive $0xFFFF  }
0x98: {  	p0 =	sne.s32 s3, $0x0;
	_ =	strace $0x90000047  }
0x99: {  	s0 =	sadd.s32 @!p0 $0x100000, s0;
	[bflag:$0x2] =	sbarrier.arrive $0xFFFF  }
0x9a: {  	[sflag:s0] =	ssyncadd.tile.s32 @!p0 $0x1;
	_ =	shalt  }
.Lfunc_end2:
_tile_overlayer_lowered:
.L_overlay_start_2:
0x9b: {  	(tag) =	ssettag $0x2  }
0x9c: {  	s0 =	rddreg [dreg:$0x0];
	s2 =	stileid.u32  }
0x9d: {  	s1 =	rddreg [dreg:$0x1];
	p0 =	sne.s32 s2, $0x0  }
0x9e: {  	s3 =	rddreg [dreg:$0x2];
	[bflag:$0x3] =	sbarrier.arrive $0xFFFF;
	s2 =	simm.s32 @!p0 $0x1C01  }
0x9f: {  	[timem:s3], [sflag:s2] =	dma.local @!p0 [hbm:s0], s1  }
0xa0: {  	s0 =	simm.s32 @!p0 $0x1  }
0xa1: {  	_ =	swait.ge @!p0 [sflag:s0], s1  }
0xa2: {  	s1 =	ssub.s32 @!p0 $0x0, s1;
	[sflag:s0] =	ssyncset.done @!p0 $0x0  }
0xa3: {  	[sflag:s0] =	ssyncadd.s32 @!p0 s1  }
0xa4: {  	[bflag:$0x3] =	sbarrier.arrive $0xFFFF  }
0xa5: {  	_ =	shalt  }

</sc_bundles>
